<compile_context>
chip_gen: v7x
topology: tpu7x:2x2x1
jax: 0.10.2.dev20260603
libtpu: 0.0.44.dev20260713+nightly
codegen_flags: <defaults>
</compile_context>

<pallas_src>
import jax
import jax.numpy as jnp
from jax import lax
from jax.experimental import pallas as pl
from jax.experimental.pallas import tpu as pltpu
from jax.experimental.pallas import tpu_sc as plsc

_ROWS = 16 * 2048
_C = 256

_SC_ROWS = 12288
_TC_ROWS = _ROWS - _SC_ROWS

_NW = 32
_RPW = _SC_ROWS // _NW
_CH_ROWS = 32
_NCHUNK = _RPW // _CH_ROWS
_LANES = _C // 16

_BLOCK_ROWS = 2048


def _sc_kernel(pmu, pls_, fmu, fls, out,
               b0pm, b0pl, b0fm, b0fl,
               b1pm, b1pl, b1fm, b1fl,
               accv, sem0, sem1):
    wid = lax.axis_index("s") * 2 + lax.axis_index("c")
    base = wid * _RPW
    srcs = (pmu, pls_, fmu, fls)
    bufs = ((b0pm, b0pl, b0fm, b0fl, sem0),
            (b1pm, b1pl, b1fm, b1fl, sem1))

    def issue(setid, ci):
        bs = bufs[setid]
        r0 = base + ci * _CH_ROWS
        for src, dst in zip(srcs, bs[:4]):
            pltpu.async_copy(src.at[pl.ds(r0, _CH_ROWS), :], dst, bs[4])

    def wait(setid, ci):
        bs = bufs[setid]
        r0 = base + ci * _CH_ROWS
        for src, dst in zip(srcs, bs[:4]):
            pltpu.make_async_copy(
                src.at[pl.ds(r0, _CH_ROWS), :], dst, bs[4]).wait()

    def compute(setid, acc):
        bpm, bpl, bfm, bfl, _ = bufs[setid]
        zero = jnp.zeros((16,), jnp.float32)

        def body(k, carry):
            accsA = list(carry[:4])
            accsB = list(carry[4:])
            r = k >> 2
            cb = (k & 3) * 4
            for u in range(4):
                sl = pl.ds((cb + u) * 16, 16)
                p_ls = bpl[r, sl]
                f_ls = bfl[r, sl]
                d = bfm[r, sl] - bpm[r, sl]
                var_f = jnp.exp(2.0 * f_ls)
                inv_vp = jnp.exp(-2.0 * p_ls)
                accsA[u] = accsA[u] + (p_ls - f_ls)
                accsB[u] = accsB[u] + (var_f + d * d) * inv_vp
            return tuple(accsA) + tuple(accsB)

        carry = lax.fori_loop(0, _CH_ROWS * 4, body, (zero,) * 8)
        a = (carry[0] + carry[1]) + (carry[2] + carry[3])
        b = (carry[4] + carry[5]) + (carry[6] + carry[7])
        return acc + (a + 0.5 * b)

    issue(0, 0)
    issue(1, 1)

    def pair_body(g, acc):
        ci0 = g * 2
        wait(0, ci0)
        acc = compute(0, acc)

        @pl.when(ci0 + 2 < _NCHUNK)
        def _():
            issue(0, ci0 + 2)

        wait(1, ci0 + 1)
        acc = compute(1, acc)

        @pl.when(ci0 + 3 < _NCHUNK)
        def _():
            issue(1, ci0 + 3)

        return acc

    acc = lax.fori_loop(0, _NCHUNK // 2, pair_body,
                        jnp.zeros((16,), jnp.float32))
    accv[...] = acc
    pltpu.sync_copy(accv, out.at[wid])


def _tc_block_kernel(pmu_ref, pls_ref, fmu_ref, fls_ref, out_ref, acc_ref):
    i = pl.program_id(0)

    @pl.when(i == 0)
    def _init():
        acc_ref[...] = jnp.zeros_like(acc_ref)

    pls = pls_ref[...]
    fls = fls_ref[...]
    d = fmu_ref[...] - pmu_ref[...]
    var_f = jnp.exp(2.0 * fls)
    inv_2vp = 0.5 * jnp.exp(-2.0 * pls)
    kl = (pls - fls - 0.5) + (var_f + d * d) * inv_2vp
    acc_ref[...] += jnp.sum(kl.reshape(-1, 8, _C), axis=0)

    @pl.when(i == pl.num_programs(0) - 1)
    def _fin():
        out_ref[...] = jnp.sum(acc_ref[...])[None, None]


def kernel(present_mu, present_log_sigma, future_mu, future_log_sigma):
    pmu2 = present_mu.reshape(_ROWS, _C)
    pls2 = present_log_sigma.reshape(_ROWS, _C)
    fmu2 = future_mu.reshape(_ROWS, _C)
    fls2 = future_log_sigma.reshape(_ROWS, _C)

    mesh = plsc.VectorSubcoreMesh(core_axis_name="c", subcore_axis_name="s")
    sc_fn = pl.kernel(
        _sc_kernel,
        mesh=mesh,
        out_type=jax.ShapeDtypeStruct((_NW, 16), jnp.float32),
        scratch_types=(
            [pltpu.VMEM((_CH_ROWS, _C), jnp.float32) for _ in range(8)]
            + [pltpu.VMEM((16,), jnp.float32),
               pltpu.SemaphoreType.DMA,
               pltpu.SemaphoreType.DMA]
        ),
    )
    sc_partials = sc_fn(pmu2, pls2, fmu2, fls2)

    blk0 = _SC_ROWS // _BLOCK_ROWS
    in_spec = pl.BlockSpec((_BLOCK_ROWS, _C), lambda i: (i + blk0, 0))
    tc_out = pl.pallas_call(
        _tc_block_kernel,
        grid=(_TC_ROWS // _BLOCK_ROWS,),
        in_specs=[in_spec, in_spec, in_spec, in_spec],
        out_specs=pl.BlockSpec((1, 1), lambda i: (0, 0)),
        out_shape=jax.ShapeDtypeStruct((1, 1), jnp.float32),
        scratch_shapes=[pltpu.VMEM((8, _C), jnp.float32)],
    )(pmu2, pls2, fmu2, fls2)

    sc_sum = jnp.sum(sc_partials) - jnp.float32(0.5 * _SC_ROWS * _C)
    return (tc_out[0, 0] + sc_sum) / jnp.float32(_ROWS)

# --- scband reference (transcript-rebuilt; emitter-appended) ---
"""Pipeline reference for scband-probabilistic-loss-18957985644645 (READ-ONLY COPY).

The authoritative reference and input builder live on the scoring server;
editing this copy changes nothing except your own understanding.
"""

import jax, jax.numpy as jnp
import numpy as np

LOSS_WEIGHT = 1.0

def setup_inputs(seed: int = 0) -> dict:
    key = jax.random.key(seed)
    k1, k2, k3, k4 = jax.random.split(key, 4)
    shape = (16, 2048, 256)
    return {
        "present_mu": jax.random.normal(k1, shape, dtype=jnp.float32),
        "present_log_sigma": jax.random.normal(k2, shape, dtype=jnp.float32),
        "future_mu": jax.random.normal(k3, shape, dtype=jnp.float32),
        "future_log_sigma": jax.random.normal(k4, shape, dtype=jnp.float32),
    }

def reference(present_mu, present_log_sigma, future_mu, future_log_sigma):
    # only_valid_agent=False path: kl_loss_mask is all-True, so masking is a reshape.
    var_future = jnp.exp(2.0 * future_log_sigma)
    var_present = jnp.exp(2.0 * present_log_sigma)
    kl_div = (present_log_sigma - future_log_sigma - 0.5
              + (var_future + (future_mu - present_mu) ** 2) / (2.0 * var_present))
    BS, N1, C = kl_div.shape
    kl_loss = jnp.mean(jnp.sum(kl_div.reshape(BS * N1, C), axis=-1)) * LOSS_WEIGHT
    return kl_loss

if __name__ == "__main__":
    import jax
    _d = setup_inputs()
    print(jax.jit(kernel)(*tuple(_d.values())))

</pallas_src>

<mosaic_0001>
#map = affine_map<(d0, d1) -> (0, 0)>
module attributes {stable_mosaic.version = 14 : i64} {
  func.func @_sc_kernel(%arg0: i32, %arg1: i32, %arg2: memref<32768x256xf32, #tpu.memory_space<hbm>>, %arg3: memref<32768x256xf32, #tpu.memory_space<hbm>>, %arg4: memref<32768x256xf32, #tpu.memory_space<hbm>>, %arg5: memref<32768x256xf32, #tpu.memory_space<hbm>>, %arg6: memref<32x16xf32, #tpu.memory_space<hbm>>, %arg7: memref<32x256xf32, #tpu.memory_space<vmem>>, %arg8: memref<32x256xf32, #tpu.memory_space<vmem>>, %arg9: memref<32x256xf32, #tpu.memory_space<vmem>>, %arg10: memref<32x256xf32, #tpu.memory_space<vmem>>, %arg11: memref<32x256xf32, #tpu.memory_space<vmem>>, %arg12: memref<32x256xf32, #tpu.memory_space<vmem>>, %arg13: memref<32x256xf32, #tpu.memory_space<vmem>>, %arg14: memref<32x256xf32, #tpu.memory_space<vmem>>, %arg15: memref<16xf32, #tpu.memory_space<vmem>>, %arg16: memref<!tpu.dma_semaphore, #tpu.memory_space<semaphore_mem>>, %arg17: memref<!tpu.dma_semaphore, #tpu.memory_space<semaphore_mem>>) attributes {dimension_semantics = [#tpu.dimension_semantics<core_parallel>, #tpu.dimension_semantics<subcore_parallel>], iteration_bounds = array<i64: 2, 16>, scalar_prefetch = 0 : i64, scratch_operands = 11 : i64, tpu.core_type = #tpu.core_type<sc_vector_subcore>, window_params = [{transform_indices = #map}, {transform_indices = #map}, {transform_indices = #map}, {transform_indices = #map}, {transform_indices = #map}]} {
    %mul3A = arith.constant 2 : i32
    %mul3A_0 = arith.muli %arg1, %mul3A : i32
    %add3A = arith.addi %mul3A_0, %arg0 : i32
    %mul3A_1 = arith.constant 384 : i32
    %mul3A_2 = arith.muli %add3A, %mul3A_1 : i32
    %add3A_3 = arith.constant 0 : i32
    %add3A_4 = arith.addi %mul3A_2, %add3A_3 : i32
    %dma_start3A = arith.constant 0 : i32
    %dma_start3A_5 = tpu.memref_slice %arg2[%add3A_4, %dma_start3A] : memref<32768x256xf32, #tpu.memory_space<hbm>> -> memref<32x256xf32, #tpu.memory_space<hbm>>
    %dma_start3A_6 = arith.constant 0 : i32
    %dma_start3A_7 = tpu.memref_slice %arg2[%add3A_4, %dma_start3A_6] : memref<32768x256xf32, #tpu.memory_space<hbm>> -> memref<32x256xf32, #tpu.memory_space<hbm>>
    tpu.enqueue_dma source(%dma_start3A_7 : memref<32x256xf32, #tpu.memory_space<hbm>>) target(%arg7 : memref<32x256xf32, #tpu.memory_space<vmem>>) target_semaphore(%arg16 : memref<!tpu.dma_semaphore, #tpu.memory_space<semaphore_mem>>)
    %dma_start3A_8 = arith.constant 0 : i32
    %dma_start3A_9 = tpu.memref_slice %arg3[%add3A_4, %dma_start3A_8] : memref<32768x256xf32, #tpu.memory_space<hbm>> -> memref<32x256xf32, #tpu.memory_space<hbm>>
    %dma_start3A_10 = arith.constant 0 : i32
    %dma_start3A_11 = tpu.memref_slice %arg3[%add3A_4, %dma_start3A_10] : memref<32768x256xf32, #tpu.memory_space<hbm>> -> memref<32x256xf32, #tpu.memory_space<hbm>>
    tpu.enqueue_dma source(%dma_start3A_11 : memref<32x256xf32, #tpu.memory_space<hbm>>) target(%arg8 : memref<32x256xf32, #tpu.memory_space<vmem>>) target_semaphore(%arg16 : memref<!tpu.dma_semaphore, #tpu.memory_space<semaphore_mem>>)
    %dma_start3A_12 = arith.constant 0 : i32
    %dma_start3A_13 = tpu.memref_slice %arg4[%add3A_4, %dma_start3A_12] : memref<32768x256xf32, #tpu.memory_space<hbm>> -> memref<32x256xf32, #tpu.memory_space<hbm>>
    %dma_start3A_14 = arith.constant 0 : i32
    %dma_start3A_15 = tpu.memref_slice %arg4[%add3A_4, %dma_start3A_14] : memref<32768x256xf32, #tpu.memory_space<hbm>> -> memref<32x256xf32, #tpu.memory_space<hbm>>
    tpu.enqueue_dma source(%dma_start3A_15 : memref<32x256xf32, #tpu.memory_space<hbm>>) target(%arg9 : memref<32x256xf32, #tpu.memory_space<vmem>>) target_semaphore(%arg16 : memref<!tpu.dma_semaphore, #tpu.memory_space<semaphore_mem>>)
    %dma_start3A_16 = arith.constant 0 : i32
    %dma_start3A_17 = tpu.memref_slice %arg5[%add3A_4, %dma_start3A_16] : memref<32768x256xf32, #tpu.memory_space<hbm>> -> memref<32x256xf32, #tpu.memory_space<hbm>>
    %dma_start3A_18 = arith.constant 0 : i32
    %dma_start3A_19 = tpu.memref_slice %arg5[%add3A_4, %dma_start3A_18] : memref<32768x256xf32, #tpu.memory_space<hbm>> -> memref<32x256xf32, #tpu.memory_space<hbm>>
    tpu.enqueue_dma source(%dma_start3A_19 : memref<32x256xf32, #tpu.memory_space<hbm>>) target(%arg10 : memref<32x256xf32, #tpu.memory_space<vmem>>) target_semaphore(%arg16 : memref<!tpu.dma_semaphore, #tpu.memory_space<semaphore_mem>>)
    %add3A_20 = arith.constant 32 : i32
    %add3A_21 = arith.addi %mul3A_2, %add3A_20 : i32
    %dma_start3A_22 = arith.constant 0 : i32
    %dma_start3A_23 = tpu.memref_slice %arg2[%add3A_21, %dma_start3A_22] : memref<32768x256xf32, #tpu.memory_space<hbm>> -> memref<32x256xf32, #tpu.memory_space<hbm>>
    %dma_start3A_24 = arith.constant 0 : i32
    %dma_start3A_25 = tpu.memref_slice %arg2[%add3A_21, %dma_start3A_24] : memref<32768x256xf32, #tpu.memory_space<hbm>> -> memref<32x256xf32, #tpu.memory_space<hbm>>
    tpu.enqueue_dma source(%dma_start3A_25 : memref<32x256xf32, #tpu.memory_space<hbm>>) target(%arg11 : memref<32x256xf32, #tpu.memory_space<vmem>>) target_semaphore(%arg17 : memref<!tpu.dma_semaphore, #tpu.memory_space<semaphore_mem>>)
    %dma_start3A_26 = arith.constant 0 : i32
    %dma_start3A_27 = tpu.memref_slice %arg3[%add3A_21, %dma_start3A_26] : memref<32768x256xf32, #tpu.memory_space<hbm>> -> memref<32x256xf32, #tpu.memory_space<hbm>>
    %dma_start3A_28 = arith.constant 0 : i32
    %dma_start3A_29 = tpu.memref_slice %arg3[%add3A_21, %dma_start3A_28] : memref<32768x256xf32, #tpu.memory_space<hbm>> -> memref<32x256xf32, #tpu.memory_space<hbm>>
    tpu.enqueue_dma source(%dma_start3A_29 : memref<32x256xf32, #tpu.memory_space<hbm>>) target(%arg12 : memref<32x256xf32, #tpu.memory_space<vmem>>) target_semaphore(%arg17 : memref<!tpu.dma_semaphore, #tpu.memory_space<semaphore_mem>>)
    %dma_start3A_30 = arith.constant 0 : i32
    %dma_start3A_31 = tpu.memref_slice %arg4[%add3A_21, %dma_start3A_30] : memref<32768x256xf32, #tpu.memory_space<hbm>> -> memref<32x256xf32, #tpu.memory_space<hbm>>
    %dma_start3A_32 = arith.constant 0 : i32
    %dma_start3A_33 = tpu.memref_slice %arg4[%add3A_21, %dma_start3A_32] : memref<32768x256xf32, #tpu.memory_space<hbm>> -> memref<32x256xf32, #tpu.memory_space<hbm>>
    tpu.enqueue_dma source(%dma_start3A_33 : memref<32x256xf32, #tpu.memory_space<hbm>>) target(%arg13 : memref<32x256xf32, #tpu.memory_space<vmem>>) target_semaphore(%arg17 : memref<!tpu.dma_semaphore, #tpu.memory_space<semaphore_mem>>)
    %dma_start3A_34 = arith.constant 0 : i32
    %dma_start3A_35 = tpu.memref_slice %arg5[%add3A_21, %dma_start3A_34] : memref<32768x256xf32, #tpu.memory_space<hbm>> -> memref<32x256xf32, #tpu.memory_space<hbm>>
    %dma_start3A_36 = arith.constant 0 : i32
    %dma_start3A_37 = tpu.memref_slice %arg5[%add3A_21, %dma_start3A_36] : memref<32768x256xf32, #tpu.memory_space<hbm>> -> memref<32x256xf32, #tpu.memory_space<hbm>>
    tpu.enqueue_dma source(%dma_start3A_37 : memref<32x256xf32, #tpu.memory_space<hbm>>) target(%arg14 : memref<32x256xf32, #tpu.memory_space<vmem>>) target_semaphore(%arg17 : memref<!tpu.dma_semaphore, #tpu.memory_space<semaphore_mem>>)
    %broadcast_in_dim3A = arith.constant 0.000000e+00 : f32
    %broadcast_in_dim3A_38 = vector.broadcast %broadcast_in_dim3A : f32 to vector<16xf32>
    %scan3A = arith.constant 0 : i32
    %scan3A_39 = arith.constant 6 : i32
    %scan3A_40 = arith.addi %scan3A, %scan3A_39 : i32
    %scan3A_41 = arith.constant 1 : i32
    %scan3A_42 = scf.for %scan3A_47 = %scan3A to %scan3A_40 step %scan3A_41 iter_args(%scan3A_48 = %broadcast_in_dim3A_38) -> (vector<16xf32>)  : i32 {
      %mul3A_49 = arith.constant 2 : i32
      %mul3A_50 = arith.muli %scan3A_47, %mul3A_49 : i32
      %mul3A_51 = arith.constant 32 : i32
      %mul3A_52 = arith.muli %mul3A_50, %mul3A_51 : i32
      %add3A_53 = arith.addi %mul3A_2, %mul3A_52 : i32
      %dma_wait3A = arith.constant 0 : i32
      %dma_wait3A_54 = tpu.memref_slice %arg2[%add3A_53, %dma_wait3A] : memref<32768x256xf32, #tpu.memory_space<hbm>> -> memref<32x256xf32, #tpu.memory_space<hbm>>
      %dma_wait3A_55 = arith.constant 0 : i32
      %dma_wait3A_56 = tpu.memref_slice %arg2[%add3A_53, %dma_wait3A_55] : memref<32768x256xf32, #tpu.memory_space<hbm>> -> memref<32x256xf32, #tpu.memory_space<hbm>>
      tpu.wait_dma2 semaphore(%arg16 : memref<!tpu.dma_semaphore, #tpu.memory_space<semaphore_mem>>) src(%dma_wait3A_56 : memref<32x256xf32, #tpu.memory_space<hbm>>) dst(%arg7 : memref<32x256xf32, #tpu.memory_space<vmem>>)
      %dma_wait3A_57 = arith.constant 0 : i32
      %dma_wait3A_58 = tpu.memref_slice %arg3[%add3A_53, %dma_wait3A_57] : memref<32768x256xf32, #tpu.memory_space<hbm>> -> memref<32x256xf32, #tpu.memory_space<hbm>>
      %dma_wait3A_59 = arith.constant 0 : i32
      %dma_wait3A_60 = tpu.memref_slice %arg3[%add3A_53, %dma_wait3A_59] : memref<32768x256xf32, #tpu.memory_space<hbm>> -> memref<32x256xf32, #tpu.memory_space<hbm>>
      tpu.wait_dma2 semaphore(%arg16 : memref<!tpu.dma_semaphore, #tpu.memory_space<semaphore_mem>>) src(%dma_wait3A_60 : memref<32x256xf32, #tpu.memory_space<hbm>>) dst(%arg8 : memref<32x256xf32, #tpu.memory_space<vmem>>)
      %dma_wait3A_61 = arith.constant 0 : i32
      %dma_wait3A_62 = tpu.memref_slice %arg4[%add3A_53, %dma_wait3A_61] : memref<32768x256xf32, #tpu.memory_space<hbm>> -> memref<32x256xf32, #tpu.memory_space<hbm>>
      %dma_wait3A_63 = arith.constant 0 : i32
      %dma_wait3A_64 = tpu.memref_slice %arg4[%add3A_53, %dma_wait3A_63] : memref<32768x256xf32, #tpu.memory_space<hbm>> -> memref<32x256xf32, #tpu.memory_space<hbm>>
      tpu.wait_dma2 semaphore(%arg16 : memref<!tpu.dma_semaphore, #tpu.memory_space<semaphore_mem>>) src(%dma_wait3A_64 : memref<32x256xf32, #tpu.memory_space<hbm>>) dst(%arg9 : memref<32x256xf32, #tpu.memory_space<vmem>>)
      %dma_wait3A_65 = arith.constant 0 : i32
      %dma_wait3A_66 = tpu.memref_slice %arg5[%add3A_53, %dma_wait3A_65] : memref<32768x256xf32, #tpu.memory_space<hbm>> -> memref<32x256xf32, #tpu.memory_space<hbm>>
      %dma_wait3A_67 = arith.constant 0 : i32
      %dma_wait3A_68 = tpu.memref_slice %arg5[%add3A_53, %dma_wait3A_67] : memref<32768x256xf32, #tpu.memory_space<hbm>> -> memref<32x256xf32, #tpu.memory_space<hbm>>
      tpu.wait_dma2 semaphore(%arg16 : memref<!tpu.dma_semaphore, #tpu.memory_space<semaphore_mem>>) src(%dma_wait3A_68 : memref<32x256xf32, #tpu.memory_space<hbm>>) dst(%arg10 : memref<32x256xf32, #tpu.memory_space<vmem>>)
      %broadcast_in_dim3A_69 = arith.constant 0.000000e+00 : f32
      %broadcast_in_dim3A_70 = vector.broadcast %broadcast_in_dim3A_69 : f32 to vector<16xf32>
      %scan3A_71 = arith.constant 0 : i32
      %scan3A_72 = arith.constant 128 : i32
      %scan3A_73 = arith.addi %scan3A_71, %scan3A_72 : i32
      %scan3A_74 = arith.constant 1 : i32
      %scan3A_75:8 = scf.for %scan3A_139 = %scan3A_71 to %scan3A_73 step %scan3A_74 iter_args(%scan3A_140 = %broadcast_in_dim3A_70, %scan3A_141 = %broadcast_in_dim3A_70, %scan3A_142 = %broadcast_in_dim3A_70, %scan3A_143 = %broadcast_in_dim3A_70, %scan3A_144 = %broadcast_in_dim3A_70, %scan3A_145 = %broadcast_in_dim3A_70, %scan3A_146 = %broadcast_in_dim3A_70, %scan3A_147 = %broadcast_in_dim3A_70) -> (vector<16xf32>, vector<16xf32>, vector<16xf32>, vector<16xf32>, vector<16xf32>, vector<16xf32>, vector<16xf32>, vector<16xf32>)  : i32 {
        %shift_right_arithmetic3A = arith.constant 2 : i32
        %shift_right_arithmetic3A_148 = arith.shrsi %scan3A_139, %shift_right_arithmetic3A : i32
        %and3A = arith.constant 3 : i32
        %and3A_149 = arith.andi %scan3A_139, %and3A : i32
        %mul3A_150 = arith.constant 4 : i32
        %mul3A_151 = arith.muli %and3A_149, %mul3A_150 : i32
        %add3A_152 = arith.constant 0 : i32
        %add3A_153 = arith.addi %mul3A_151, %add3A_152 : i32
        %mul3A_154 = arith.constant 16 : i32
        %mul3A_155 = arith.muli %add3A_153, %mul3A_154 : i32
        %get3A = arith.index_cast %shift_right_arithmetic3A_148 : i32 to index
        %get3A_156 = arith.index_cast %mul3A_155 : i32 to index
        %get3A_157 = tpu.vector_load %arg8[%get3A, %get3A_156] {strides = array<i32>} : memref<32x256xf32, #tpu.memory_space<vmem>>, vector<1x16xf32>,
        %get3A_158 = vector.shape_cast %get3A_157 : vector<1x16xf32> to vector<16xf32>
        %get3A_159 = arith.index_cast %shift_right_arithmetic3A_148 : i32 to index
        %get3A_160 = arith.index_cast %mul3A_155 : i32 to index
        %get3A_161 = tpu.vector_load %arg10[%get3A_159, %get3A_160] {strides = array<i32>} : memref<32x256xf32, #tpu.memory_space<vmem>>, vector<1x16xf32>,
        %get3A_162 = vector.shape_cast %get3A_161 : vector<1x16xf32> to vector<16xf32>
        %get3A_163 = arith.index_cast %shift_right_arithmetic3A_148 : i32 to index
        %get3A_164 = arith.index_cast %mul3A_155 : i32 to index
        %get3A_165 = tpu.vector_load %arg9[%get3A_163, %get3A_164] {strides = array<i32>} : memref<32x256xf32, #tpu.memory_space<vmem>>, vector<1x16xf32>,
        %get3A_166 = vector.shape_cast %get3A_165 : vector<1x16xf32> to vector<16xf32>
        %get3A_167 = arith.index_cast %shift_right_arithmetic3A_148 : i32 to index
        %get3A_168 = arith.index_cast %mul3A_155 : i32 to index
        %get3A_169 = tpu.vector_load %arg7[%get3A_167, %get3A_168] {strides = array<i32>} : memref<32x256xf32, #tpu.memory_space<vmem>>, vector<1x16xf32>,
        %get3A_170 = vector.shape_cast %get3A_169 : vector<1x16xf32> to vector<16xf32>
        %sub3A = arith.subf %get3A_166, %get3A_170 : vector<16xf32>
        %mul3A_171 = arith.constant 2.000000e+00 : f32
        %mul3A_172 = vector.broadcast %mul3A_171 : f32 to vector<16xf32>
        %mul3A_173 = arith.mulf %mul3A_172, %get3A_162 : vector<16xf32>
        %exp3A = math.exp %mul3A_173 : vector<16xf32>
        %mul3A_174 = arith.constant -2.000000e+00 : f32
        %mul3A_175 = vector.broadcast %mul3A_174 : f32 to vector<16xf32>
        %mul3A_176 = arith.mulf %mul3A_175, %get3A_158 : vector<16xf32>
        %exp3A_177 = math.exp %mul3A_176 : vector<16xf32>
        %sub3A_178 = arith.subf %get3A_158, %get3A_162 : vector<16xf32>
        %add3A_179 = arith.addf %scan3A_140, %sub3A_178 : vector<16xf32>
        %mul3A_180 = arith.mulf %sub3A, %sub3A : vector<16xf32>
        %add3A_181 = arith.addf %exp3A, %mul3A_180 : vector<16xf32>
        %mul3A_182 = arith.mulf %add3A_181, %exp3A_177 : vector<16xf32>
        %add3A_183 = arith.addf %scan3A_144, %mul3A_182 : vector<16xf32>
        %add3A_184 = arith.constant 1 : i32
        %add3A_185 = arith.addi %mul3A_151, %add3A_184 : i32
        %mul3A_186 = arith.constant 16 : i32
        %mul3A_187 = arith.muli %add3A_185, %mul3A_186 : i32
        %get3A_188 = arith.index_cast %shift_right_arithmetic3A_148 : i32 to index
        %get3A_189 = arith.index_cast %mul3A_187 : i32 to index
        %get3A_190 = tpu.vector_load %arg8[%get3A_188, %get3A_189] {strides = array<i32>} : memref<32x256xf32, #tpu.memory_space<vmem>>, vector<1x16xf32>,
        %get3A_191 = vector.shape_cast %get3A_190 : vector<1x16xf32> to vector<16xf32>
        %get3A_192 = arith.index_cast %shift_right_arithmetic3A_148 : i32 to index
        %get3A_193 = arith.index_cast %mul3A_187 : i32 to index
        %get3A_194 = tpu.vector_load %arg10[%get3A_192, %get3A_193] {strides = array<i32>} : memref<32x256xf32, #tpu.memory_space<vmem>>, vector<1x16xf32>,
        %get3A_195 = vector.shape_cast %get3A_194 : vector<1x16xf32> to vector<16xf32>
        %get3A_196 = arith.index_cast %shift_right_arithmetic3A_148 : i32 to index
        %get3A_197 = arith.index_cast %mul3A_187 : i32 to index
        %get3A_198 = tpu.vector_load %arg9[%get3A_196, %get3A_197] {strides = array<i32>} : memref<32x256xf32, #tpu.memory_space<vmem>>, vector<1x16xf32>,
        %get3A_199 = vector.shape_cast %get3A_198 : vector<1x16xf32> to vector<16xf32>
        %get3A_200 = arith.index_cast %shift_right_arithmetic3A_148 : i32 to index
        %get3A_201 = arith.index_cast %mul3A_187 : i32 to index
        %get3A_202 = tpu.vector_load %arg7[%get3A_200, %get3A_201] {strides = array<i32>} : memref<32x256xf32, #tpu.memory_space<vmem>>, vector<1x16xf32>,
        %get3A_203 = vector.shape_cast %get3A_202 : vector<1x16xf32> to vector<16xf32>
        %sub3A_204 = arith.subf %get3A_199, %get3A_203 : vector<16xf32>
        %mul3A_205 = arith.constant 2.000000e+00 : f32
        %mul3A_206 = vector.broadcast %mul3A_205 : f32 to vector<16xf32>
        %mul3A_207 = arith.mulf %mul3A_206, %get3A_195 : vector<16xf32>
        %exp3A_208 = math.exp %mul3A_207 : vector<16xf32>
        %mul3A_209 = arith.constant -2.000000e+00 : f32
        %mul3A_210 = vector.broadcast %mul3A_209 : f32 to vector<16xf32>
        %mul3A_211 = arith.mulf %mul3A_210, %get3A_191 : vector<16xf32>
        %exp3A_212 = math.exp %mul3A_211 : vector<16xf32>
        %sub3A_213 = arith.subf %get3A_191, %get3A_195 : vector<16xf32>
        %add3A_214 = arith.addf %scan3A_141, %sub3A_213 : vector<16xf32>
        %mul3A_215 = arith.mulf %sub3A_204, %sub3A_204 : vector<16xf32>
        %add3A_216 = arith.addf %exp3A_208, %mul3A_215 : vector<16xf32>
        %mul3A_217 = arith.mulf %add3A_216, %exp3A_212 : vector<16xf32>
        %add3A_218 = arith.addf %scan3A_145, %mul3A_217 : vector<16xf32>
        %add3A_219 = arith.constant 2 : i32
        %add3A_220 = arith.addi %mul3A_151, %add3A_219 : i32
        %mul3A_221 = arith.constant 16 : i32
        %mul3A_222 = arith.muli %add3A_220, %mul3A_221 : i32
        %get3A_223 = arith.index_cast %shift_right_arithmetic3A_148 : i32 to index
        %get3A_224 = arith.index_cast %mul3A_222 : i32 to index
        %get3A_225 = tpu.vector_load %arg8[%get3A_223, %get3A_224] {strides = array<i32>} : memref<32x256xf32, #tpu.memory_space<vmem>>, vector<1x16xf32>,
        %get3A_226 = vector.shape_cast %get3A_225 : vector<1x16xf32> to vector<16xf32>
        %get3A_227 = arith.index_cast %shift_right_arithmetic3A_148 : i32 to index
        %get3A_228 = arith.index_cast %mul3A_222 : i32 to index
        %get3A_229 = tpu.vector_load %arg10[%get3A_227, %get3A_228] {strides = array<i32>} : memref<32x256xf32, #tpu.memory_space<vmem>>, vector<1x16xf32>,
        %get3A_230 = vector.shape_cast %get3A_229 : vector<1x16xf32> to vector<16xf32>
        %get3A_231 = arith.index_cast %shift_right_arithmetic3A_148 : i32 to index
        %get3A_232 = arith.index_cast %mul3A_222 : i32 to index
        %get3A_233 = tpu.vector_load %arg9[%get3A_231, %get3A_232] {strides = array<i32>} : memref<32x256xf32, #tpu.memory_space<vmem>>, vector<1x16xf32>,
        %get3A_234 = vector.shape_cast %get3A_233 : vector<1x16xf32> to vector<16xf32>
        %get3A_235 = arith.index_cast %shift_right_arithmetic3A_148 : i32 to index
        %get3A_236 = arith.index_cast %mul3A_222 : i32 to index
        %get3A_237 = tpu.vector_load %arg7[%get3A_235, %get3A_236] {strides = array<i32>} : memref<32x256xf32, #tpu.memory_space<vmem>>, vector<1x16xf32>,
        %get3A_238 = vector.shape_cast %get3A_237 : vector<1x16xf32> to vector<16xf32>
        %sub3A_239 = arith.subf %get3A_234, %get3A_238 : vector<16xf32>
        %mul3A_240 = arith.constant 2.000000e+00 : f32
        %mul3A_241 = vector.broadcast %mul3A_240 : f32 to vector<16xf32>
        %mul3A_242 = arith.mulf %mul3A_241, %get3A_230 : vector<16xf32>
        %exp3A_243 = math.exp %mul3A_242 : vector<16xf32>
        %mul3A_244 = arith.constant -2.000000e+00 : f32
        %mul3A_245 = vector.broadcast %mul3A_244 : f32 to vector<16xf32>
        %mul3A_246 = arith.mulf %mul3A_245, %get3A_226 : vector<16xf32>
        %exp3A_247 = math.exp %mul3A_246 : vector<16xf32>
        %sub3A_248 = arith.subf %get3A_226, %get3A_230 : vector<16xf32>
        %add3A_249 = arith.addf %scan3A_142, %sub3A_248 : vector<16xf32>
        %mul3A_250 = arith.mulf %sub3A_239, %sub3A_239 : vector<16xf32>
        %add3A_251 = arith.addf %exp3A_243, %mul3A_250 : vector<16xf32>
        %mul3A_252 = arith.mulf %add3A_251, %exp3A_247 : vector<16xf32>
        %add3A_253 = arith.addf %scan3A_146, %mul3A_252 : vector<16xf32>
        %add3A_254 = arith.constant 3 : i32
        %add3A_255 = arith.addi %mul3A_151, %add3A_254 : i32
        %mul3A_256 = arith.constant 16 : i32
        %mul3A_257 = arith.muli %add3A_255, %mul3A_256 : i32
        %get3A_258 = arith.index_cast %shift_right_arithmetic3A_148 : i32 to index
        %get3A_259 = arith.index_cast %mul3A_257 : i32 to index
        %get3A_260 = tpu.vector_load %arg8[%get3A_258, %get3A_259] {strides = array<i32>} : memref<32x256xf32, #tpu.memory_space<vmem>>, vector<1x16xf32>,
        %get3A_261 = vector.shape_cast %get3A_260 : vector<1x16xf32> to vector<16xf32>
        %get3A_262 = arith.index_cast %shift_right_arithmetic3A_148 : i32 to index
        %get3A_263 = arith.index_cast %mul3A_257 : i32 to index
        %get3A_264 = tpu.vector_load %arg10[%get3A_262, %get3A_263] {strides = array<i32>} : memref<32x256xf32, #tpu.memory_space<vmem>>, vector<1x16xf32>,
        %get3A_265 = vector.shape_cast %get3A_264 : vector<1x16xf32> to vector<16xf32>
        %get3A_266 = arith.index_cast %shift_right_arithmetic3A_148 : i32 to index
        %get3A_267 = arith.index_cast %mul3A_257 : i32 to index
        %get3A_268 = tpu.vector_load %arg9[%get3A_266, %get3A_267] {strides = array<i32>} : memref<32x256xf32, #tpu.memory_space<vmem>>, vector<1x16xf32>,
        %get3A_269 = vector.shape_cast %get3A_268 : vector<1x16xf32> to vector<16xf32>
        %get3A_270 = arith.index_cast %shift_right_arithmetic3A_148 : i32 to index
        %get3A_271 = arith.index_cast %mul3A_257 : i32 to index
        %get3A_272 = tpu.vector_load %arg7[%get3A_270, %get3A_271] {strides = array<i32>} : memref<32x256xf32, #tpu.memory_space<vmem>>, vector<1x16xf32>,
        %get3A_273 = vector.shape_cast %get3A_272 : vector<1x16xf32> to vector<16xf32>
        %sub3A_274 = arith.subf %get3A_269, %get3A_273 : vector<16xf32>
        %mul3A_275 = arith.constant 2.000000e+00 : f32
        %mul3A_276 = vector.broadcast %mul3A_275 : f32 to vector<16xf32>
        %mul3A_277 = arith.mulf %mul3A_276, %get3A_265 : vector<16xf32>
        %exp3A_278 = math.exp %mul3A_277 : vector<16xf32>
        %mul3A_279 = arith.constant -2.000000e+00 : f32
        %mul3A_280 = vector.broadcast %mul3A_279 : f32 to vector<16xf32>
        %mul3A_281 = arith.mulf %mul3A_280, %get3A_261 : vector<16xf32>
        %exp3A_282 = math.exp %mul3A_281 : vector<16xf32>
        %sub3A_283 = arith.subf %get3A_261, %get3A_265 : vector<16xf32>
        %add3A_284 = arith.addf %scan3A_143, %sub3A_283 : vector<16xf32>
        %mul3A_285 = arith.mulf %sub3A_274, %sub3A_274 : vector<16xf32>
        %add3A_286 = arith.addf %exp3A_278, %mul3A_285 : vector<16xf32>
        %mul3A_287 = arith.mulf %add3A_286, %exp3A_282 : vector<16xf32>
        %add3A_288 = arith.addf %scan3A_147, %mul3A_287 : vector<16xf32>
        scf.yield %add3A_179, %add3A_214, %add3A_249, %add3A_284, %add3A_183, %add3A_218, %add3A_253, %add3A_288 : vector<16xf32>, vector<16xf32>, vector<16xf32>, vector<16xf32>, vector<16xf32>, vector<16xf32>, vector<16xf32>, vector<16xf32>
      }
      %scan3A_76 = arith.constant 128 : i32
      %add3A_77 = arith.addf %scan3A_75#0, %scan3A_75#1 : vector<16xf32>
      %add3A_78 = arith.addf %scan3A_75#2, %scan3A_75#3 : vector<16xf32>
      %add3A_79 = arith.addf %add3A_77, %add3A_78 : vector<16xf32>
      %add3A_80 = arith.addf %scan3A_75#4, %scan3A_75#5 : vector<16xf32>
      %add3A_81 = arith.addf %scan3A_75#6, %scan3A_75#7 : vector<16xf32>
      %add3A_82 = arith.addf %add3A_80, %add3A_81 : vector<16xf32>
      %mul3A_83 = arith.constant 5.000000e-01 : f32
      %mul3A_84 = vector.broadcast %mul3A_83 : f32 to vector<16xf32>
      %mul3A_85 = arith.mulf %mul3A_84, %add3A_82 : vector<16xf32>
      %add3A_86 = arith.addf %add3A_79, %mul3A_85 : vector<16xf32>
      %add3A_87 = arith.addf %scan3A_48, %add3A_86 : vector<16xf32>
      %add3A_88 = arith.constant 2 : i32
      %add3A_89 = arith.addi %mul3A_50, %add3A_88 : i32
      %lt3A = arith.constant 12 : i32
      %lt3A_90 = arith.cmpi slt, %add3A_89, %lt3A : i32
      %convert_element_type3A = arith.extui %lt3A_90 : i1 to i32
      %cond3A = arith.constant 0 : i32
      %cond3A_91 = arith.cmpi ne, %convert_element_type3A, %cond3A : i32
      scf.if %cond3A_91 {
        %add3A_139 = arith.constant 2 : i32
        %add3A_140 = arith.addi %mul3A_50, %add3A_139 : i32
        %mul3A_141 = arith.constant 32 : i32
        %mul3A_142 = arith.muli %add3A_140, %mul3A_141 : i32
        %add3A_143 = arith.addi %mul3A_2, %mul3A_142 : i32
        %dma_start3A_144 = arith.constant 0 : i32
        %dma_start3A_145 = tpu.memref_slice %arg2[%add3A_143, %dma_start3A_144] : memref<32768x256xf32, #tpu.memory_space<hbm>> -> memref<32x256xf32, #tpu.memory_space<hbm>>
        %dma_start3A_146 = arith.constant 0 : i32
        %dma_start3A_147 = tpu.memref_slice %arg2[%add3A_143, %dma_start3A_146] : memref<32768x256xf32, #tpu.memory_space<hbm>> -> memref<32x256xf32, #tpu.memory_space<hbm>>
        tpu.enqueue_dma source(%dma_start3A_147 : memref<32x256xf32, #tpu.memory_space<hbm>>) target(%arg7 : memref<32x256xf32, #tpu.memory_space<vmem>>) target_semaphore(%arg16 : memref<!tpu.dma_semaphore, #tpu.memory_space<semaphore_mem>>)
        %dma_start3A_148 = arith.constant 0 : i32
        %dma_start3A_149 = tpu.memref_slice %arg3[%add3A_143, %dma_start3A_148] : memref<32768x256xf32, #tpu.memory_space<hbm>> -> memref<32x256xf32, #tpu.memory_space<hbm>>
        %dma_start3A_150 = arith.constant 0 : i32
        %dma_start3A_151 = tpu.memref_slice %arg3[%add3A_143, %dma_start3A_150] : memref<32768x256xf32, #tpu.memory_space<hbm>> -> memref<32x256xf32, #tpu.memory_space<hbm>>
        tpu.enqueue_dma source(%dma_start3A_151 : memref<32x256xf32, #tpu.memory_space<hbm>>) target(%arg8 : memref<32x256xf32, #tpu.memory_space<vmem>>) target_semaphore(%arg16 : memref<!tpu.dma_semaphore, #tpu.memory_space<semaphore_mem>>)
        %dma_start3A_152 = arith.constant 0 : i32
        %dma_start3A_153 = tpu.memref_slice %arg4[%add3A_143, %dma_start3A_152] : memref<32768x256xf32, #tpu.memory_space<hbm>> -> memref<32x256xf32, #tpu.memory_space<hbm>>
        %dma_start3A_154 = arith.constant 0 : i32
        %dma_start3A_155 = tpu.memref_slice %arg4[%add3A_143, %dma_start3A_154] : memref<32768x256xf32, #tpu.memory_space<hbm>> -> memref<32x256xf32, #tpu.memory_space<hbm>>
        tpu.enqueue_dma source(%dma_start3A_155 : memref<32x256xf32, #tpu.memory_space<hbm>>) target(%arg9 : memref<32x256xf32, #tpu.memory_space<vmem>>) target_semaphore(%arg16 : memref<!tpu.dma_semaphore, #tpu.memory_space<semaphore_mem>>)
        %dma_start3A_156 = arith.constant 0 : i32
        %dma_start3A_157 = tpu.memref_slice %arg5[%add3A_143, %dma_start3A_156] : memref<32768x256xf32, #tpu.memory_space<hbm>> -> memref<32x256xf32, #tpu.memory_space<hbm>>
        %dma_start3A_158 = arith.constant 0 : i32
        %dma_start3A_159 = tpu.memref_slice %arg5[%add3A_143, %dma_start3A_158] : memref<32768x256xf32, #tpu.memory_space<hbm>> -> memref<32x256xf32, #tpu.memory_space<hbm>>
        tpu.enqueue_dma source(%dma_start3A_159 : memref<32x256xf32, #tpu.memory_space<hbm>>) target(%arg10 : memref<32x256xf32, #tpu.memory_space<vmem>>) target_semaphore(%arg16 : memref<!tpu.dma_semaphore, #tpu.memory_space<semaphore_mem>>)
      } else {
      }
      %add3A_92 = arith.constant 1 : i32
      %add3A_93 = arith.addi %mul3A_50, %add3A_92 : i32
      %mul3A_94 = arith.constant 32 : i32
      %mul3A_95 = arith.muli %add3A_93, %mul3A_94 : i32
      %add3A_96 = arith.addi %mul3A_2, %mul3A_95 : i32
      %dma_wait3A_97 = arith.constant 0 : i32
      %dma_wait3A_98 = tpu.memref_slice %arg2[%add3A_96, %dma_wait3A_97] : memref<32768x256xf32, #tpu.memory_space<hbm>> -> memref<32x256xf32, #tpu.memory_space<hbm>>
      %dma_wait3A_99 = arith.constant 0 : i32
      %dma_wait3A_100 = tpu.memref_slice %arg2[%add3A_96, %dma_wait3A_99] : memref<32768x256xf32, #tpu.memory_space<hbm>> -> memref<32x256xf32, #tpu.memory_space<hbm>>
      tpu.wait_dma2 semaphore(%arg17 : memref<!tpu.dma_semaphore, #tpu.memory_space<semaphore_mem>>) src(%dma_wait3A_100 : memref<32x256xf32, #tpu.memory_space<hbm>>) dst(%arg11 : memref<32x256xf32, #tpu.memory_space<vmem>>)
      %dma_wait3A_101 = arith.constant 0 : i32
      %dma_wait3A_102 = tpu.memref_slice %arg3[%add3A_96, %dma_wait3A_101] : memref<32768x256xf32, #tpu.memory_space<hbm>> -> memref<32x256xf32, #tpu.memory_space<hbm>>
      %dma_wait3A_103 = arith.constant 0 : i32
      %dma_wait3A_104 = tpu.memref_slice %arg3[%add3A_96, %dma_wait3A_103] : memref<32768x256xf32, #tpu.memory_space<hbm>> -> memref<32x256xf32, #tpu.memory_space<hbm>>
      tpu.wait_dma2 semaphore(%arg17 : memref<!tpu.dma_semaphore, #tpu.memory_space<semaphore_mem>>) src(%dma_wait3A_104 : memref<32x256xf32, #tpu.memory_space<hbm>>) dst(%arg12 : memref<32x256xf32, #tpu.memory_space<vmem>>)
      %dma_wait3A_105 = arith.constant 0 : i32
      %dma_wait3A_106 = tpu.memref_slice %arg4[%add3A_96, %dma_wait3A_105] : memref<32768x256xf32, #tpu.memory_space<hbm>> -> memref<32x256xf32, #tpu.memory_space<hbm>>
      %dma_wait3A_107 = arith.constant 0 : i32
      %dma_wait3A_108 = tpu.memref_slice %arg4[%add3A_96, %dma_wait3A_107] : memref<32768x256xf32, #tpu.memory_space<hbm>> -> memref<32x256xf32, #tpu.memory_space<hbm>>
      tpu.wait_dma2 semaphore(%arg17 : memref<!tpu.dma_semaphore, #tpu.memory_space<semaphore_mem>>) src(%dma_wait3A_108 : memref<32x256xf32, #tpu.memory_space<hbm>>) dst(%arg13 : memref<32x256xf32, #tpu.memory_space<vmem>>)
      %dma_wait3A_109 = arith.constant 0 : i32
      %dma_wait3A_110 = tpu.memref_slice %arg5[%add3A_96, %dma_wait3A_109] : memref<32768x256xf32, #tpu.memory_space<hbm>> -> memref<32x256xf32, #tpu.memory_space<hbm>>
      %dma_wait3A_111 = arith.constant 0 : i32
      %dma_wait3A_112 = tpu.memref_slice %arg5[%add3A_96, %dma_wait3A_111] : memref<32768x256xf32, #tpu.memory_space<hbm>> -> memref<32x256xf32, #tpu.memory_space<hbm>>
      tpu.wait_dma2 semaphore(%arg17 : memref<!tpu.dma_semaphore, #tpu.memory_space<semaphore_mem>>) src(%dma_wait3A_112 : memref<32x256xf32, #tpu.memory_space<hbm>>) dst(%arg14 : memref<32x256xf32, #tpu.memory_space<vmem>>)
      %broadcast_in_dim3A_113 = arith.constant 0.000000e+00 : f32
      %broadcast_in_dim3A_114 = vector.broadcast %broadcast_in_dim3A_113 : f32 to vector<16xf32>
      %scan3A_115 = arith.constant 0 : i32
      %scan3A_116 = arith.constant 128 : i32
      %scan3A_117 = arith.addi %scan3A_115, %scan3A_116 : i32
      %scan3A_118 = arith.constant 1 : i32
      %scan3A_119:8 = scf.for %scan3A_139 = %scan3A_115 to %scan3A_117 step %scan3A_118 iter_args(%scan3A_140 = %broadcast_in_dim3A_114, %scan3A_141 = %broadcast_in_dim3A_114, %scan3A_142 = %broadcast_in_dim3A_114, %scan3A_143 = %broadcast_in_dim3A_114, %scan3A_144 = %broadcast_in_dim3A_114, %scan3A_145 = %broadcast_in_dim3A_114, %scan3A_146 = %broadcast_in_dim3A_114, %scan3A_147 = %broadcast_in_dim3A_114) -> (vector<16xf32>, vector<16xf32>, vector<16xf32>, vector<16xf32>, vector<16xf32>, vector<16xf32>, vector<16xf32>, vector<16xf32>)  : i32 {
        %shift_right_arithmetic3A = arith.constant 2 : i32
        %shift_right_arithmetic3A_148 = arith.shrsi %scan3A_139, %shift_right_arithmetic3A : i32
        %and3A = arith.constant 3 : i32
        %and3A_149 = arith.andi %scan3A_139, %and3A : i32
        %mul3A_150 = arith.constant 4 : i32
        %mul3A_151 = arith.muli %and3A_149, %mul3A_150 : i32
        %add3A_152 = arith.constant 0 : i32
        %add3A_153 = arith.addi %mul3A_151, %add3A_152 : i32
        %mul3A_154 = arith.constant 16 : i32
        %mul3A_155 = arith.muli %add3A_153, %mul3A_154 : i32
        %get3A = arith.index_cast %shift_right_arithmetic3A_148 : i32 to index
        %get3A_156 = arith.index_cast %mul3A_155 : i32 to index
        %get3A_157 = tpu.vector_load %arg12[%get3A, %get3A_156] {strides = array<i32>} : memref<32x256xf32, #tpu.memory_space<vmem>>, vector<1x16xf32>,
        %get3A_158 = vector.shape_cast %get3A_157 : vector<1x16xf32> to vector<16xf32>
        %get3A_159 = arith.index_cast %shift_right_arithmetic3A_148 : i32 to index
        %get3A_160 = arith.index_cast %mul3A_155 : i32 to index
        %get3A_161 = tpu.vector_load %arg14[%get3A_159, %get3A_160] {strides = array<i32>} : memref<32x256xf32, #tpu.memory_space<vmem>>, vector<1x16xf32>,
        %get3A_162 = vector.shape_cast %get3A_161 : vector<1x16xf32> to vector<16xf32>
        %get3A_163 = arith.index_cast %shift_right_arithmetic3A_148 : i32 to index
        %get3A_164 = arith.index_cast %mul3A_155 : i32 to index
        %get3A_165 = tpu.vector_load %arg13[%get3A_163, %get3A_164] {strides = array<i32>} : memref<32x256xf32, #tpu.memory_space<vmem>>, vector<1x16xf32>,
        %get3A_166 = vector.shape_cast %get3A_165 : vector<1x16xf32> to vector<16xf32>
        %get3A_167 = arith.index_cast %shift_right_arithmetic3A_148 : i32 to index
        %get3A_168 = arith.index_cast %mul3A_155 : i32 to index
        %get3A_169 = tpu.vector_load %arg11[%get3A_167, %get3A_168] {strides = array<i32>} : memref<32x256xf32, #tpu.memory_space<vmem>>, vector<1x16xf32>,
        %get3A_170 = vector.shape_cast %get3A_169 : vector<1x16xf32> to vector<16xf32>
        %sub3A = arith.subf %get3A_166, %get3A_170 : vector<16xf32>
        %mul3A_171 = arith.constant 2.000000e+00 : f32
        %mul3A_172 = vector.broadcast %mul3A_171 : f32 to vector<16xf32>
        %mul3A_173 = arith.mulf %mul3A_172, %get3A_162 : vector<16xf32>
        %exp3A = math.exp %mul3A_173 : vector<16xf32>
        %mul3A_174 = arith.constant -2.000000e+00 : f32
        %mul3A_175 = vector.broadcast %mul3A_174 : f32 to vector<16xf32>
        %mul3A_176 = arith.mulf %mul3A_175, %get3A_158 : vector<16xf32>
        %exp3A_177 = math.exp %mul3A_176 : vector<16xf32>
        %sub3A_178 = arith.subf %get3A_158, %get3A_162 : vector<16xf32>
        %add3A_179 = arith.addf %scan3A_140, %sub3A_178 : vector<16xf32>
        %mul3A_180 = arith.mulf %sub3A, %sub3A : vector<16xf32>
        %add3A_181 = arith.addf %exp3A, %mul3A_180 : vector<16xf32>
        %mul3A_182 = arith.mulf %add3A_181, %exp3A_177 : vector<16xf32>
        %add3A_183 = arith.addf %scan3A_144, %mul3A_182 : vector<16xf32>
        %add3A_184 = arith.constant 1 : i32
        %add3A_185 = arith.addi %mul3A_151, %add3A_184 : i32
        %mul3A_186 = arith.constant 16 : i32
        %mul3A_187 = arith.muli %add3A_185, %mul3A_186 : i32
        %get3A_188 = arith.index_cast %shift_right_arithmetic3A_148 : i32 to index
        %get3A_189 = arith.index_cast %mul3A_187 : i32 to index
        %get3A_190 = tpu.vector_load %arg12[%get3A_188, %get3A_189] {strides = array<i32>} : memref<32x256xf32, #tpu.memory_space<vmem>>, vector<1x16xf32>,
        %get3A_191 = vector.shape_cast %get3A_190 : vector<1x16xf32> to vector<16xf32>
        %get3A_192 = arith.index_cast %shift_right_arithmetic3A_148 : i32 to index
        %get3A_193 = arith.index_cast %mul3A_187 : i32 to index
        %get3A_194 = tpu.vector_load %arg14[%get3A_192, %get3A_193] {strides = array<i32>} : memref<32x256xf32, #tpu.memory_space<vmem>>, vector<1x16xf32>,
        %get3A_195 = vector.shape_cast %get3A_194 : vector<1x16xf32> to vector<16xf32>
        %get3A_196 = arith.index_cast %shift_right_arithmetic3A_148 : i32 to index
        %get3A_197 = arith.index_cast %mul3A_187 : i32 to index
        %get3A_198 = tpu.vector_load %arg13[%get3A_196, %get3A_197] {strides = array<i32>} : memref<32x256xf32, #tpu.memory_space<vmem>>, vector<1x16xf32>,
        %get3A_199 = vector.shape_cast %get3A_198 : vector<1x16xf32> to vector<16xf32>
        %get3A_200 = arith.index_cast %shift_right_arithmetic3A_148 : i32 to index
        %get3A_201 = arith.index_cast %mul3A_187 : i32 to index
        %get3A_202 = tpu.vector_load %arg11[%get3A_200, %get3A_201] {strides = array<i32>} : memref<32x256xf32, #tpu.memory_space<vmem>>, vector<1x16xf32>,
        %get3A_203 = vector.shape_cast %get3A_202 : vector<1x16xf32> to vector<16xf32>
        %sub3A_204 = arith.subf %get3A_199, %get3A_203 : vector<16xf32>
        %mul3A_205 = arith.constant 2.000000e+00 : f32
        %mul3A_206 = vector.broadcast %mul3A_205 : f32 to vector<16xf32>
        %mul3A_207 = arith.mulf %mul3A_206, %get3A_195 : vector<16xf32>
        %exp3A_208 = math.exp %mul3A_207 : vector<16xf32>
        %mul3A_209 = arith.constant -2.000000e+00 : f32
        %mul3A_210 = vector.broadcast %mul3A_209 : f32 to vector<16xf32>
        %mul3A_211 = arith.mulf %mul3A_210, %get3A_191 : vector<16xf32>
        %exp3A_212 = math.exp %mul3A_211 : vector<16xf32>
        %sub3A_213 = arith.subf %get3A_191, %get3A_195 : vector<16xf32>
        %add3A_214 = arith.addf %scan3A_141, %sub3A_213 : vector<16xf32>
        %mul3A_215 = arith.mulf %sub3A_204, %sub3A_204 : vector<16xf32>
        %add3A_216 = arith.addf %exp3A_208, %mul3A_215 : vector<16xf32>
        %mul3A_217 = arith.mulf %add3A_216, %exp3A_212 : vector<16xf32>
        %add3A_218 = arith.addf %scan3A_145, %mul3A_217 : vector<16xf32>
        %add3A_219 = arith.constant 2 : i32
        %add3A_220 = arith.addi %mul3A_151, %add3A_219 : i32
        %mul3A_221 = arith.constant 16 : i32
        %mul3A_222 = arith.muli %add3A_220, %mul3A_221 : i32
        %get3A_223 = arith.index_cast %shift_right_arithmetic3A_148 : i32 to index
        %get3A_224 = arith.index_cast %mul3A_222 : i32 to index
        %get3A_225 = tpu.vector_load %arg12[%get3A_223, %get3A_224] {strides = array<i32>} : memref<32x256xf32, #tpu.memory_space<vmem>>, vector<1x16xf32>,
        %get3A_226 = vector.shape_cast %get3A_225 : vector<1x16xf32> to vector<16xf32>
        %get3A_227 = arith.index_cast %shift_right_arithmetic3A_148 : i32 to index
        %get3A_228 = arith.index_cast %mul3A_222 : i32 to index
        %get3A_229 = tpu.vector_load %arg14[%get3A_227, %get3A_228] {strides = array<i32>} : memref<32x256xf32, #tpu.memory_space<vmem>>, vector<1x16xf32>,
        %get3A_230 = vector.shape_cast %get3A_229 : vector<1x16xf32> to vector<16xf32>
        %get3A_231 = arith.index_cast %shift_right_arithmetic3A_148 : i32 to index
        %get3A_232 = arith.index_cast %mul3A_222 : i32 to index
        %get3A_233 = tpu.vector_load %arg13[%get3A_231, %get3A_232] {strides = array<i32>} : memref<32x256xf32, #tpu.memory_space<vmem>>, vector<1x16xf32>,
        %get3A_234 = vector.shape_cast %get3A_233 : vector<1x16xf32> to vector<16xf32>
        %get3A_235 = arith.index_cast %shift_right_arithmetic3A_148 : i32 to index
        %get3A_236 = arith.index_cast %mul3A_222 : i32 to index
        %get3A_237 = tpu.vector_load %arg11[%get3A_235, %get3A_236] {strides = array<i32>} : memref<32x256xf32, #tpu.memory_space<vmem>>, vector<1x16xf32>,
        %get3A_238 = vector.shape_cast %get3A_237 : vector<1x16xf32> to vector<16xf32>
        %sub3A_239 = arith.subf %get3A_234, %get3A_238 : vector<16xf32>
        %mul3A_240 = arith.constant 2.000000e+00 : f32
        %mul3A_241 = vector.broadcast %mul3A_240 : f32 to vector<16xf32>
        %mul3A_242 = arith.mulf %mul3A_241, %get3A_230 : vector<16xf32>
        %exp3A_243 = math.exp %mul3A_242 : vector<16xf32>
        %mul3A_244 = arith.constant -2.000000e+00 : f32
        %mul3A_245 = vector.broadcast %mul3A_244 : f32 to vector<16xf32>
        %mul3A_246 = arith.mulf %mul3A_245, %get3A_226 : vector<16xf32>
        %exp3A_247 = math.exp %mul3A_246 : vector<16xf32>
        %sub3A_248 = arith.subf %get3A_226, %get3A_230 : vector<16xf32>
        %add3A_249 = arith.addf %scan3A_142, %sub3A_248 : vector<16xf32>
        %mul3A_250 = arith.mulf %sub3A_239, %sub3A_239 : vector<16xf32>
        %add3A_251 = arith.addf %exp3A_243, %mul3A_250 : vector<16xf32>
        %mul3A_252 = arith.mulf %add3A_251, %exp3A_247 : vector<16xf32>
        %add3A_253 = arith.addf %scan3A_146, %mul3A_252 : vector<16xf32>
        %add3A_254 = arith.constant 3 : i32
        %add3A_255 = arith.addi %mul3A_151, %add3A_254 : i32
        %mul3A_256 = arith.constant 16 : i32
        %mul3A_257 = arith.muli %add3A_255, %mul3A_256 : i32
        %get3A_258 = arith.index_cast %shift_right_arithmetic3A_148 : i32 to index
        %get3A_259 = arith.index_cast %mul3A_257 : i32 to index
        %get3A_260 = tpu.vector_load %arg12[%get3A_258, %get3A_259] {strides = array<i32>} : memref<32x256xf32, #tpu.memory_space<vmem>>, vector<1x16xf32>,
        %get3A_261 = vector.shape_cast %get3A_260 : vector<1x16xf32> to vector<16xf32>
        %get3A_262 = arith.index_cast %shift_right_arithmetic3A_148 : i32 to index
        %get3A_263 = arith.index_cast %mul3A_257 : i32 to index
        %get3A_264 = tpu.vector_load %arg14[%get3A_262, %get3A_263] {strides = array<i32>} : memref<32x256xf32, #tpu.memory_space<vmem>>, vector<1x16xf32>,
        %get3A_265 = vector.shape_cast %get3A_264 : vector<1x16xf32> to vector<16xf32>
        %get3A_266 = arith.index_cast %shift_right_arithmetic3A_148 : i32 to index
        %get3A_267 = arith.index_cast %mul3A_257 : i32 to index
        %get3A_268 = tpu.vector_load %arg13[%get3A_266, %get3A_267] {strides = array<i32>} : memref<32x256xf32, #tpu.memory_space<vmem>>, vector<1x16xf32>,
        %get3A_269 = vector.shape_cast %get3A_268 : vector<1x16xf32> to vector<16xf32>
        %get3A_270 = arith.index_cast %shift_right_arithmetic3A_148 : i32 to index
        %get3A_271 = arith.index_cast %mul3A_257 : i32 to index
        %get3A_272 = tpu.vector_load %arg11[%get3A_270, %get3A_271] {strides = array<i32>} : memref<32x256xf32, #tpu.memory_space<vmem>>, vector<1x16xf32>,
        %get3A_273 = vector.shape_cast %get3A_272 : vector<1x16xf32> to vector<16xf32>
        %sub3A_274 = arith.subf %get3A_269, %get3A_273 : vector<16xf32>
        %mul3A_275 = arith.constant 2.000000e+00 : f32
        %mul3A_276 = vector.broadcast %mul3A_275 : f32 to vector<16xf32>
        %mul3A_277 = arith.mulf %mul3A_276, %get3A_265 : vector<16xf32>
        %exp3A_278 = math.exp %mul3A_277 : vector<16xf32>
        %mul3A_279 = arith.constant -2.000000e+00 : f32
        %mul3A_280 = vector.broadcast %mul3A_279 : f32 to vector<16xf32>
        %mul3A_281 = arith.mulf %mul3A_280, %get3A_261 : vector<16xf32>
        %exp3A_282 = math.exp %mul3A_281 : vector<16xf32>
        %sub3A_283 = arith.subf %get3A_261, %get3A_265 : vector<16xf32>
        %add3A_284 = arith.addf %scan3A_143, %sub3A_283 : vector<16xf32>
        %mul3A_285 = arith.mulf %sub3A_274, %sub3A_274 : vector<16xf32>
        %add3A_286 = arith.addf %exp3A_278, %mul3A_285 : vector<16xf32>
        %mul3A_287 = arith.mulf %add3A_286, %exp3A_282 : vector<16xf32>
        %add3A_288 = arith.addf %scan3A_147, %mul3A_287 : vector<16xf32>
        scf.yield %add3A_179, %add3A_214, %add3A_249, %add3A_284, %add3A_183, %add3A_218, %add3A_253, %add3A_288 : vector<16xf32>, vector<16xf32>, vector<16xf32>, vector<16xf32>, vector<16xf32>, vector<16xf32>, vector<16xf32>, vector<16xf32>
      }
      %scan3A_120 = arith.constant 128 : i32
      %add3A_121 = arith.addf %scan3A_119#0, %scan3A_119#1 : vector<16xf32>
      %add3A_122 = arith.addf %scan3A_119#2, %scan3A_119#3 : vector<16xf32>
      %add3A_123 = arith.addf %add3A_121, %add3A_122 : vector<16xf32>
      %add3A_124 = arith.addf %scan3A_119#4, %scan3A_119#5 : vector<16xf32>
      %add3A_125 = arith.addf %scan3A_119#6, %scan3A_119#7 : vector<16xf32>
      %add3A_126 = arith.addf %add3A_124, %add3A_125 : vector<16xf32>
      %mul3A_127 = arith.constant 5.000000e-01 : f32
      %mul3A_128 = vector.broadcast %mul3A_127 : f32 to vector<16xf32>
      %mul3A_129 = arith.mulf %mul3A_128, %add3A_126 : vector<16xf32>
      %add3A_130 = arith.addf %add3A_123, %mul3A_129 : vector<16xf32>
      %add3A_131 = arith.addf %add3A_87, %add3A_130 : vector<16xf32>
      %add3A_132 = arith.constant 3 : i32
      %add3A_133 = arith.addi %mul3A_50, %add3A_132 : i32
      %lt3A_134 = arith.constant 12 : i32
      %lt3A_135 = arith.cmpi slt, %add3A_133, %lt3A_134 : i32
      %convert_element_type3A_136 = arith.extui %lt3A_135 : i1 to i32
      %cond3A_137 = arith.constant 0 : i32
      %cond3A_138 = arith.cmpi ne, %convert_element_type3A_136, %cond3A_137 : i32
      scf.if %cond3A_138 {
        %add3A_139 = arith.constant 3 : i32
        %add3A_140 = arith.addi %mul3A_50, %add3A_139 : i32
        %mul3A_141 = arith.constant 32 : i32
        %mul3A_142 = arith.muli %add3A_140, %mul3A_141 : i32
        %add3A_143 = arith.addi %mul3A_2, %mul3A_142 : i32
        %dma_start3A_144 = arith.constant 0 : i32
        %dma_start3A_145 = tpu.memref_slice %arg2[%add3A_143, %dma_start3A_144] : memref<32768x256xf32, #tpu.memory_space<hbm>> -> memref<32x256xf32, #tpu.memory_space<hbm>>
        %dma_start3A_146 = arith.constant 0 : i32
        %dma_start3A_147 = tpu.memref_slice %arg2[%add3A_143, %dma_start3A_146] : memref<32768x256xf32, #tpu.memory_space<hbm>> -> memref<32x256xf32, #tpu.memory_space<hbm>>
        tpu.enqueue_dma source(%dma_start3A_147 : memref<32x256xf32, #tpu.memory_space<hbm>>) target(%arg11 : memref<32x256xf32, #tpu.memory_space<vmem>>) target_semaphore(%arg17 : memref<!tpu.dma_semaphore, #tpu.memory_space<semaphore_mem>>)
        %dma_start3A_148 = arith.constant 0 : i32
        %dma_start3A_149 = tpu.memref_slice %arg3[%add3A_143, %dma_start3A_148] : memref<32768x256xf32, #tpu.memory_space<hbm>> -> memref<32x256xf32, #tpu.memory_space<hbm>>
        %dma_start3A_150 = arith.constant 0 : i32
        %dma_start3A_151 = tpu.memref_slice %arg3[%add3A_143, %dma_start3A_150] : memref<32768x256xf32, #tpu.memory_space<hbm>> -> memref<32x256xf32, #tpu.memory_space<hbm>>
        tpu.enqueue_dma source(%dma_start3A_151 : memref<32x256xf32, #tpu.memory_space<hbm>>) target(%arg12 : memref<32x256xf32, #tpu.memory_space<vmem>>) target_semaphore(%arg17 : memref<!tpu.dma_semaphore, #tpu.memory_space<semaphore_mem>>)
        %dma_start3A_152 = arith.constant 0 : i32
        %dma_start3A_153 = tpu.memref_slice %arg4[%add3A_143, %dma_start3A_152] : memref<32768x256xf32, #tpu.memory_space<hbm>> -> memref<32x256xf32, #tpu.memory_space<hbm>>
        %dma_start3A_154 = arith.constant 0 : i32
        %dma_start3A_155 = tpu.memref_slice %arg4[%add3A_143, %dma_start3A_154] : memref<32768x256xf32, #tpu.memory_space<hbm>> -> memref<32x256xf32, #tpu.memory_space<hbm>>
        tpu.enqueue_dma source(%dma_start3A_155 : memref<32x256xf32, #tpu.memory_space<hbm>>) target(%arg13 : memref<32x256xf32, #tpu.memory_space<vmem>>) target_semaphore(%arg17 : memref<!tpu.dma_semaphore, #tpu.memory_space<semaphore_mem>>)
        %dma_start3A_156 = arith.constant 0 : i32
        %dma_start3A_157 = tpu.memref_slice %arg5[%add3A_143, %dma_start3A_156] : memref<32768x256xf32, #tpu.memory_space<hbm>> -> memref<32x256xf32, #tpu.memory_space<hbm>>
        %dma_start3A_158 = arith.constant 0 : i32
        %dma_start3A_159 = tpu.memref_slice %arg5[%add3A_143, %dma_start3A_158] : memref<32768x256xf32, #tpu.memory_space<hbm>> -> memref<32x256xf32, #tpu.memory_space<hbm>>
        tpu.enqueue_dma source(%dma_start3A_159 : memref<32x256xf32, #tpu.memory_space<hbm>>) target(%arg14 : memref<32x256xf32, #tpu.memory_space<vmem>>) target_semaphore(%arg17 : memref<!tpu.dma_semaphore, #tpu.memory_space<semaphore_mem>>)
      } else {
      }
      scf.yield %add3A_131 : vector<16xf32>
    }
    %scan3A_43 = arith.constant 6 : i32
    %swap3A = arith.constant 0 : index
    %swap3A_44 = tpu.vector_load %arg15[%swap3A] {strides = array<i32>} : memref<16xf32, #tpu.memory_space<vmem>>, vector<16xf32>,
    %swap3A_45 = vector.shape_cast %swap3A_44 : vector<16xf32> to vector<16xf32>
    %swap3A_46 = vector.shape_cast %scan3A_42 : vector<16xf32> to vector<16xf32>
    tpu.vector_store %arg15[%swap3A], %swap3A_46 {strides = array<i32>} : memref<16xf32, #tpu.memory_space<vmem>>, vector<16xf32>,
    "tpu.region"() ({
      %run_scoped3A = tpu.sem_alloc : memref<!tpu.dma_semaphore, #tpu.memory_space<semaphore_mem>>
      %dma_start3A_47 = arith.constant 0 : i32
      %dma_start3A_48 = tpu.memref_slice %arg6[%add3A, %dma_start3A_47] : memref<32x16xf32, #tpu.memory_space<hbm>> -> memref<1x16xf32, #tpu.memory_space<hbm>>
      %dma_start3A_49 = tpu.memref_squeeze %dma_start3A_48 : memref<1x16xf32, #tpu.memory_space<hbm>> -> memref<16xf32, #tpu.memory_space<hbm>>
      %dma_start3A_50 = arith.constant 0 : i32
      %dma_start3A_51 = tpu.memref_slice %arg6[%add3A, %dma_start3A_50] : memref<32x16xf32, #tpu.memory_space<hbm>> -> memref<1x16xf32, #tpu.memory_space<hbm>>
      %dma_start3A_52 = tpu.memref_squeeze %dma_start3A_51 : memref<1x16xf32, #tpu.memory_space<hbm>> -> memref<16xf32, #tpu.memory_space<hbm>>
      tpu.enqueue_dma source(%arg15 : memref<16xf32, #tpu.memory_space<vmem>>) target(%dma_start3A_52 : memref<16xf32, #tpu.memory_space<hbm>>) target_semaphore(%run_scoped3A : memref<!tpu.dma_semaphore, #tpu.memory_space<semaphore_mem>>)
      %dma_wait3A = arith.constant 0 : i32
      %dma_wait3A_53 = tpu.memref_slice %arg6[%add3A, %dma_wait3A] : memref<32x16xf32, #tpu.memory_space<hbm>> -> memref<1x16xf32, #tpu.memory_space<hbm>>
      %dma_wait3A_54 = tpu.memref_squeeze %dma_wait3A_53 : memref<1x16xf32, #tpu.memory_space<hbm>> -> memref<16xf32, #tpu.memory_space<hbm>>
      %dma_wait3A_55 = arith.constant 0 : i32
      %dma_wait3A_56 = tpu.memref_slice %arg6[%add3A, %dma_wait3A_55] : memref<32x16xf32, #tpu.memory_space<hbm>> -> memref<1x16xf32, #tpu.memory_space<hbm>>
      %dma_wait3A_57 = tpu.memref_squeeze %dma_wait3A_56 : memref<1x16xf32, #tpu.memory_space<hbm>> -> memref<16xf32, #tpu.memory_space<hbm>>
      tpu.wait_dma2 semaphore(%run_scoped3A : memref<!tpu.dma_semaphore, #tpu.memory_space<semaphore_mem>>) src(%arg15 : memref<16xf32, #tpu.memory_space<vmem>>) dst(%dma_wait3A_57 : memref<16xf32, #tpu.memory_space<hbm>>)
      tpu.yield
    }) : () -> ()
    return
  }
}

module attributes {stable_mosaic.version = 14 : i64} {
  func.func @_tc_block_kernel(%arg0: i32, %arg1: memref<2048x256xf32, #tpu.memory_space<vmem>>, %arg2: memref<2048x256xf32, #tpu.memory_space<vmem>>, %arg3: memref<2048x256xf32, #tpu.memory_space<vmem>>, %arg4: memref<2048x256xf32, #tpu.memory_space<vmem>>, %arg5: memref<1x1xf32, #tpu.memory_space<vmem>>, %arg6: memref<8x256xf32, #tpu.memory_space<vmem>>) attributes {dimension_semantics = [#tpu.dimension_semantics<arbitrary>], iteration_bounds = array<i64: 10>, scalar_prefetch = 0 : i64, scratch_operands = 1 : i64, tpu.core_type = #tpu.core_type<tc>, window_params = [{transform_indices = @transform_0, window_bounds = array<i64: 2048, 256>}, {transform_indices = @transform_1, window_bounds = array<i64: 2048, 256>}, {transform_indices = @transform_2, window_bounds = array<i64: 2048, 256>}, {transform_indices = @transform_3, window_bounds = array<i64: 2048, 256>}, {pipeline_mode = #tpu.pipeline_mode<synchronous>, transform_indices = @transform_4, window_bounds = array<i64: 1, 1>}]} {
    %eq3A = arith.constant 0 : i32
    %eq3A_0 = arith.cmpi eq, %arg0, %eq3A : i32
    %convert_element_type3A = arith.extui %eq3A_0 : i1 to i32
    %cond3A = arith.constant 0 : i32
    %cond3A_1 = arith.cmpi ne, %convert_element_type3A, %cond3A : i32
    scf.if %cond3A_1 {
      %broadcast_in_dim3A = arith.constant 0.000000e+00 : f32
      %broadcast_in_dim3A_41 = vector.broadcast %broadcast_in_dim3A : f32 to vector<8x256xf32>
      %swap3A_42 = arith.constant 0 : index
      %swap3A_43 = arith.constant 0 : index
      %swap3A_44 = vector.load %arg6[%swap3A_42, %swap3A_43] : memref<8x256xf32, #tpu.memory_space<vmem>>, vector<8x256xf32>
      tpu.vector_store %arg6[%swap3A_42, %swap3A_43], %broadcast_in_dim3A_41 {strides = array<i32>} : memref<8x256xf32, #tpu.memory_space<vmem>>, vector<8x256xf32>,
    } else {
    }
    %get3A = arith.constant 0 : index
    %get3A_2 = arith.constant 0 : index
    %get3A_3 = vector.load %arg2[%get3A, %get3A_2] : memref<2048x256xf32, #tpu.memory_space<vmem>>, vector<2048x256xf32>
    %get3A_4 = arith.constant 0 : index
    %get3A_5 = arith.constant 0 : index
    %get3A_6 = vector.load %arg4[%get3A_4, %get3A_5] : memref<2048x256xf32, #tpu.memory_space<vmem>>, vector<2048x256xf32>
    %get3A_7 = arith.constant 0 : index
    %get3A_8 = arith.constant 0 : index
    %get3A_9 = vector.load %arg3[%get3A_7, %get3A_8] : memref<2048x256xf32, #tpu.memory_space<vmem>>, vector<2048x256xf32>
    %get3A_10 = arith.constant 0 : index
    %get3A_11 = arith.constant 0 : index
    %get3A_12 = vector.load %arg1[%get3A_10, %get3A_11] : memref<2048x256xf32, #tpu.memory_space<vmem>>, vector<2048x256xf32>
    %sub3A = arith.subf %get3A_9, %get3A_12 : vector<2048x256xf32>
    %mul3A = arith.constant 2.000000e+00 : f32
    %mul3A_13 = vector.broadcast %mul3A : f32 to vector<2048x256xf32>
    %mul3A_14 = arith.mulf %mul3A_13, %get3A_6 : vector<2048x256xf32>
    %exp3A = math.exp %mul3A_14 : vector<2048x256xf32>
    %mul3A_15 = arith.constant -2.000000e+00 : f32
    %mul3A_16 = vector.broadcast %mul3A_15 : f32 to vector<2048x256xf32>
    %mul3A_17 = arith.mulf %mul3A_16, %get3A_3 : vector<2048x256xf32>
    %exp3A_18 = math.exp %mul3A_17 : vector<2048x256xf32>
    %mul3A_19 = arith.constant 5.000000e-01 : f32
    %mul3A_20 = vector.broadcast %mul3A_19 : f32 to vector<2048x256xf32>
    %mul3A_21 = arith.mulf %mul3A_20, %exp3A_18 : vector<2048x256xf32>
    %sub3A_22 = arith.subf %get3A_3, %get3A_6 : vector<2048x256xf32>
    %sub3A_23 = arith.constant 5.000000e-01 : f32
    %sub3A_24 = vector.broadcast %sub3A_23 : f32 to vector<2048x256xf32>
    %sub3A_25 = arith.subf %sub3A_22, %sub3A_24 : vector<2048x256xf32>
    %mul3A_26 = arith.mulf %sub3A, %sub3A : vector<2048x256xf32>
    %add3A = arith.addf %exp3A, %mul3A_26 : vector<2048x256xf32>
    %mul3A_27 = arith.mulf %add3A, %mul3A_21 : vector<2048x256xf32>
    %add3A_28 = arith.addf %sub3A_25, %mul3A_27 : vector<2048x256xf32>
    %get3A_29 = arith.constant 0 : index
    %get3A_30 = arith.constant 0 : index
    %get3A_31 = vector.load %arg6[%get3A_29, %get3A_30] : memref<8x256xf32, #tpu.memory_space<vmem>>, vector<8x256xf32>
    %reshape3A = vector.shape_cast %add3A_28 : vector<2048x256xf32> to vector<256x8x256xf32>
    %reduce_sum3A = arith.constant dense<0.000000e+00> : vector<8x256xf32>
    %reduce_sum3A_32 = vector.multi_reduction <add>, %reshape3A, %reduce_sum3A [0] : vector<256x8x256xf32> to vector<8x256xf32>
    %add3A_33 = arith.addf %get3A_31, %reduce_sum3A_32 : vector<8x256xf32>
    %swap3A = arith.constant 0 : index
    %swap3A_34 = arith.constant 0 : index
    %swap3A_35 = vector.load %arg6[%swap3A, %swap3A_34] : memref<8x256xf32, #tpu.memory_space<vmem>>, vector<8x256xf32>
    tpu.vector_store %arg6[%swap3A, %swap3A_34], %add3A_33 {strides = array<i32>} : memref<8x256xf32, #tpu.memory_space<vmem>>, vector<8x256xf32>,
    %eq3A_36 = arith.constant 9 : i32
    %eq3A_37 = arith.cmpi eq, %arg0, %eq3A_36 : i32
    %convert_element_type3A_38 = arith.extui %eq3A_37 : i1 to i32
    %cond3A_39 = arith.constant 0 : i32
    %cond3A_40 = arith.cmpi ne, %convert_element_type3A_38, %cond3A_39 : i32
    scf.if %cond3A_40 {
      %get3A_41 = arith.constant 0 : index
      %get3A_42 = arith.constant 0 : index
      %get3A_43 = vector.load %arg6[%get3A_41, %get3A_42] : memref<8x256xf32, #tpu.memory_space<vmem>>, vector<8x256xf32>
      %reduce_sum3A_44 = vector.shape_cast %get3A_43 : vector<8x256xf32> to vector<1x8x256xf32>
      %reduce_sum3A_45 = arith.constant dense<0.000000e+00> : vector<1xf32>
      %reduce_sum3A_46 = vector.multi_reduction <add>, %reduce_sum3A_44, %reduce_sum3A_45 [1, 2] : vector<1x8x256xf32> to vector<1xf32>
      %reduce_sum3A_47 = vector.shape_cast %reduce_sum3A_46 : vector<1xf32> to vector<1x1x1xf32>
      %reduce_sum3A_48 = vector.extract %reduce_sum3A_47[0, 0, 0] : f32 from vector<1x1x1xf32>
      %broadcast_in_dim3A = vector.broadcast %reduce_sum3A_48 : f32 to vector<1x1xf32>
      %swap3A_49 = arith.constant 0 : index
      %swap3A_50 = arith.constant 0 : index
      %swap3A_51 = vector.load %arg5[%swap3A_49, %swap3A_50] : memref<1x1xf32, #tpu.memory_space<vmem>>, vector<1x1xf32>
      tpu.vector_store %arg5[%swap3A_49, %swap3A_50], %broadcast_in_dim3A {strides = array<i32>} : memref<1x1xf32, #tpu.memory_space<vmem>>, vector<1x1xf32>,
    } else {
    }
    return
  }
  func.func @transform_0(%arg0: i32) -> (i32, i32) {
    %add3A = arith.constant 6 : i32
    %add3A_0 = arith.addi %arg0, %add3A : i32
    %c0_i32 = arith.constant 0 : i32
    %c0_i32_1 = arith.constant 0 : i32
    return %add3A_0, %c0_i32 : i32, i32
  }
  func.func @transform_1(%arg0: i32) -> (i32, i32) {
    %add3A = arith.constant 6 : i32
    %add3A_0 = arith.addi %arg0, %add3A : i32
    %c0_i32 = arith.constant 0 : i32
    %c0_i32_1 = arith.constant 0 : i32
    return %add3A_0, %c0_i32 : i32, i32
  }
  func.func @transform_2(%arg0: i32) -> (i32, i32) {
    %add3A = arith.constant 6 : i32
    %add3A_0 = arith.addi %arg0, %add3A : i32
    %c0_i32 = arith.constant 0 : i32
    %c0_i32_1 = arith.constant 0 : i32
    return %add3A_0, %c0_i32 : i32, i32
  }
  func.func @transform_3(%arg0: i32) -> (i32, i32) {
    %add3A = arith.constant 6 : i32
    %add3A_0 = arith.addi %arg0, %add3A : i32
    %c0_i32 = arith.constant 0 : i32
    %c0_i32_1 = arith.constant 0 : i32
    return %add3A_0, %c0_i32 : i32, i32
  }
  func.func @transform_4(%arg0: i32) -> (i32, i32) {
    %c0_i32 = arith.constant 0 : i32
    %c0_i32_0 = arith.constant 0 : i32
    %c0_i32_1 = arith.constant 0 : i32
    return %c0_i32, %c0_i32_0 : i32, i32
  }
}

</mosaic_0001>

<sc_bundles>
// kernel: kernel.4.cloned.1.call-start
scs
__scs_entry_jumppad:
0x0: {  	(pc) =	sbr.rel $0x88, $3  }
0x1: {  	(tag) =	ssettag $0x0;
	lr =	simm.s32 $0x1  }
0x2: {  	[smem:$0x3F9D] =	sst lr;
	_ =	strace $0xD0000000  }
0x3: {  	_ = 	snop  }
0x4: {  	_ = 	snop  }
0x5: {  	_ = 	snop  }
0x6: {  	_ = 	snop  }
0x7: {  	_ = 	snop  }
__scs_overlays_trampoline_lowered:
0x8: {  	[smem:$0x3FAC] =	sst s0  }
0x9: {  	[smem:$0x3FAD] =	sst s1  }
0xa: {  	[smem:$0x3FAE] =	sst s2  }
0xb: {  	[smem:$0x3FAF] =	sst s3  }
0xc: {  	[smem:$0x3FB0] =	sst s4  }
0xd: {  	[smem:$0x3FB1] =	sst s5  }
0xe: {  	[smem:$0x3FB2] =	sst s6  }
0xf: {  	[smem:$0x3FB3] =	sst s7  }
0x10: {  	[smem:$0x3FB4] =	sst s8  }
0x11: {  	[smem:$0x3FB5] =	sst s9;
	s0 =	simm.s32 @!p0 $0x0  }
0x12: {  	s1 =	sld [smem:$0x3F9B];
	s0 =	simm.s32 @p0 $0x1  }
0x13: {  	[smem:$0x3FB6] =	sst s0;
	s0 =	simm.s32 @!p1 $0x0  }
0x14: {  	s2 =	sld [smem:$0x3F9A];
	s0 =	simm.s32 @p1 $0x1  }
0x15: {  	[smem:$0x3FB7] =	sst s0;
	s0 =	simm.s32 @!p2 $0x0  }
0x16: {  	s3 =	sld [smem:$0x3FDB];
	s0 =	simm.s32 @p2 $0x1  }
0x17: {  	s4 =	simm.s32 $0x1BF5;
	[smem:$0x3FB9] =	sst s0  }
0x18: {  	s0 =	sld [smem:$0x3F9C];
	_ =	swait.ge [sflag:s4], $0x0  }
0x19: {  	s7 =	sld [smem:$0x3F9D]  }
0x1a: {  	s8 =	sadd.s32 $0xFFFFE003, lr  }
0x1b: {  	s9 =	sadd.s32 $0xFFFFFEF7, lr;
	s5 =	simm.s32 $0xFFFFFFFF;
	p2 =	slt.u32 s8, $0xFFFFF086  }
0x1c: {  	p1 =	slt.u32 s9, $0xF7A;
	s5 =	simm.s32 @!p2 $0x0  }
0x1d: {  	s5 =	simm.s32 @p1 $0x1;
	p0 =	seq.s32 s7, s2  }
0x1e: {  	s7 =	smul.u32 @!p0 $0xF7A, s2;
	p2 =	seq.s32 @!p0 s5, $0x0  }
0x1f: {  	s9 =	smul.u32 $0xF7A, s1;
	s8 =	simm.s32 @!p0 $0x1BF5;
	p2 =	por !p2, p0  }
0x20: {  	[sflag:s8] =	ssyncset.s32 @!p0 $0xFFFFF086;
	s6 =	sadd.s32 @!p0 s3, s7;
	s7 =	simm.s32 @!p0 $0x108  }
0x21: {  	s3 =	sadd.s32 s3, s9;
	s6 =	sadd.s32 @!p0 $0x88, s6;
	s7 =	simm.s32 @p2 $0x1082  }
0x22: {  	[simem:s7], [sflag:s8] =	dma.local @!p0 [hbm:s6], $0xF7A  }
0x23: {  	s9 =	sor.u32 $0xD0000000, s2;
	s6 =	simm.s32 $0x108;
	_ =	swait.ge @!p0 [sflag:s8], $0x0  }
0x24: {  	s3 =	sadd.s32 $0x88, s3;
	s6 =	simm.s32 @!p1 $0x1082;
	[sflag:s4] =	ssyncset.s32 $0xFFFFF086  }
0x25: {  	[simem:s6], [sflag:s4] =	dma.local [hbm:s3], $0xF7A  }
0x26: {  	[smem:$0x3F9D] =	sst s1;
	(tag) =	ssettag s2;
	_ =	strace s9  }
0x27: {  	s1 =	sld [smem:$0x3FAD]  }
0x28: {  	s2 =	sld [smem:$0x3FAE]  }
0x29: {  	s4 =	sld [smem:$0x3FB0]  }
0x2a: {  	p0 =	seq.s32 s5, $0x0;
	s5 =	sld [smem:$0x3FB1]  }
0x2b: {  	s6 =	sld [smem:$0x3FB2]  }
0x2c: {  	s7 =	sld [smem:$0x3FB3]  }
0x2d: {  	s3 =	simm.s32 $0x108;
	s8 =	sld [smem:$0x3FB4]  }
0x2e: {  	s3 =	simm.s32 @!p0 $0x1082;
	s9 =	sld [smem:$0x3FB5]  }
0x2f: {  	lr =	sadd.s32 s0, s3;
	s0 =	sld [smem:$0x3FAC]  }
0x30: {  	s3 =	sld [smem:$0x3FAF]  }
0x31: {  	[smem:$0x3FB8] =	sst s10  }
0x32: {  	s10 =	sld [smem:$0x3FB6];
	_ =	sdelay $0x3  }
0x33: {  	p0 =	seq.s32 s10, $0x1;
	s10 =	sld [smem:$0x3FB8];
	_ =	sdelay $0x3  }
0x34: {  	[smem:$0x3FB8] =	sst s10  }
0x35: {  	s10 =	sld [smem:$0x3FB7];
	_ =	sdelay $0x3  }
0x36: {  	p1 =	seq.s32 s10, $0x1;
	s10 =	sld [smem:$0x3FB8];
	_ =	sdelay $0x3  }
0x37: {  	[smem:$0x3FB8] =	sst s10  }
0x38: {  	s10 =	sld [smem:$0x3FB9]  }
0x39: {  	_ = 	snop;
	(pc) =	sbr.ind lr, $3  }
0x3a: {  	_ = 	snop  }
0x3b: {  	_ = 	snop  }
0x3c: {  	p2 =	seq.s32 s10, $0x1;
	s10 =	sld [smem:$0x3FB8]  }
0x3d: {  	_ =	shalt  }
0x3e: {  	_ =	shalt  }
0x3f: {  	_ =	shalt  }
0x40: {  	_ =	shalt  }
0x41: {  	_ =	shalt  }
0x42: {  	_ =	shalt  }
0x43: {  	_ =	shalt  }
0x44: {  	_ =	shalt  }
0x45: {  	_ =	shalt  }
0x46: {  	_ =	shalt  }
0x47: {  	_ =	shalt  }
0x48: {  	_ =	shalt  }
0x49: {  	_ =	shalt  }
0x4a: {  	_ =	shalt  }
0x4b: {  	_ =	shalt  }
0x4c: {  	_ =	shalt  }
0x4d: {  	_ =	shalt  }
0x4e: {  	_ =	shalt  }
0x4f: {  	_ =	shalt  }
0x50: {  	_ =	shalt  }
0x51: {  	_ =	shalt  }
0x52: {  	_ =	shalt  }
0x53: {  	_ =	shalt  }
0x54: {  	_ =	shalt  }
0x55: {  	_ =	shalt  }
0x56: {  	_ =	shalt  }
0x57: {  	_ =	shalt  }
0x58: {  	_ =	shalt  }
0x59: {  	_ =	shalt  }
0x5a: {  	_ =	shalt  }
0x5b: {  	_ =	shalt  }
0x5c: {  	_ =	shalt  }
0x5d: {  	_ =	shalt  }
0x5e: {  	_ =	shalt  }
0x5f: {  	_ =	shalt  }
0x60: {  	_ =	shalt  }
0x61: {  	_ =	shalt  }
0x62: {  	_ =	shalt  }
0x63: {  	_ =	shalt  }
0x64: {  	_ =	shalt  }
0x65: {  	_ =	shalt  }
0x66: {  	_ =	shalt  }
0x67: {  	_ =	shalt  }
0x68: {  	_ =	shalt  }
0x69: {  	_ =	shalt  }
0x6a: {  	_ =	shalt  }
0x6b: {  	_ =	shalt  }
0x6c: {  	_ =	shalt  }
0x6d: {  	_ =	shalt  }
0x6e: {  	_ =	shalt  }
0x6f: {  	_ =	shalt  }
0x70: {  	_ =	shalt  }
0x71: {  	_ =	shalt  }
0x72: {  	_ =	shalt  }
0x73: {  	_ =	shalt  }
0x74: {  	_ =	shalt  }
0x75: {  	_ =	shalt  }
0x76: {  	_ =	shalt  }
0x77: {  	_ =	shalt  }
0x78: {  	_ =	shalt  }
0x79: {  	_ =	shalt  }
0x7a: {  	_ =	shalt  }
0x7b: {  	_ =	shalt  }
0x7c: {  	_ =	shalt  }
0x7d: {  	_ =	shalt  }
0x7e: {  	_ =	shalt  }
0x7f: {  	_ =	shalt  }
0x80: {  	_ =	shalt  }
0x81: {  	_ =	shalt  }
0x82: {  	_ =	shalt  }
0x83: {  	_ =	shalt  }
0x84: {  	_ =	shalt  }
0x85: {  	_ =	shalt  }
0x86: {  	_ =	shalt  }
0x87: {  	_ =	shalt  }
.Lfunc_end0:
.L_simem_size_0:
called_computation_lowered:
.L_overlay_start_0:
0x88: {  	s2 =	sld [smem:$0x3FD9]  }
0x89: {  	s3 =	sld [smem:$0x3FFE];
	_ =	sdelay $0x1  }
0x8a: {  	s1 =	srdreg.scid  }
0x8b: {  	s0 =	sand.u32 $0x1, s1  }
0x8c: {  	s17 =	sshll.u32 s0, $0xA;
	s2 =	sadd.s32 s3, s2  }
0x8d: {  	s2 =	sadd.s32 s2, s17  }
0x8e: {  	[smem:$0x3FC4] =	sst s2  }
0x8f: {  	_ = 	snop  }
0x90: {  	s2 =	sld [smem:$0x3FC9]  }
0x91: {  	s18 =	sld [smem:$0x3FC8]  }
0x92: {  	s4 =	sld [smem:$0x3FC7]  }
0x93: {  	s5 =	sld [smem:$0x3FC6];
	(tm) =	ssettm $0x1  }
0x94: {  	s6 =	sld [smem:$0x3FFB];
	_ =	sdelay $0x3  }
0x95: {  	_ =	strace s6  }
0x96: {  	s6 =	sld [smem:$0x3FFC];
	_ =	sdelay $0x3  }
0x97: {  	_ =	strace s6  }
0x98: {  	s6 =	sld [smem:$0x3FFD];
	_ =	sdelay $0x3  }
0x99: {  	_ =	strace s6  }
0x9a: {  	_ =	strace $0x8FFFFFFF  }
0x9b: {  	s19 =	sld [smem:$0x3FDB];
	_ =	sdelay $0x1  }
0x9c: {  	s7 =	simm.s32 $_scs_section_size  }
0x9d: {  	s8 =	simm.s32 $_size__tile_overlayer_lowered;
	s9 =	simm.s32 $_tile_overlayer_lowered  }
0x9e: {  	s22 =	simm.s32 $0x1BFF;
	s21 =	sshll.u32 s9, $0x1;
	s6 =	sadd.s32 s7, s19  }
0x9f: {  	s10 =	simm.s32 $0x0;
	s20 =	sshll.u32 s8, $0x1;
	s8 =	sadd.s32 s21, s6  }
0xa0: {  	[timem:s10], [sflag:s22] =	dma.local [hbm:s8], s20  }
0xa1: {  	_ =	swait.ge [sflag:s22], s20  }
0xa2: {  	s7 =	ssub.s32 $0x0, s20;
	[sflag:s22] =	ssyncset.done $0x0  }
0xa3: {  	[sflag:s22] =	ssyncadd.s32 s7;
	_ =	sdelay $0x1  }
0xa4: {  	s23 =	simm.s32 $0x1B8B  }
0xa5: {  	_ =	swait.ge [sflag:s23], $0x1  }
0xa6: {  	[sflag:s23] =	ssyncset.done $0x0  }
0xa7: {  	s25 =	simm.s32 $0x1B8E;
	s24 =	sld [smem:$0x3FFE];
	[sflag:s23] =	ssyncadd.s32 $0xFFFFFFFF  }
0xa8: {  	s26 =	simm.s32 $execute0_lowered;
	[smem:$0x3FD2] =	sst s25  }
0xa9: {  	s8 =	sshll.u32 s26, $0x1;
	_ =	strace $0x80000046;
	[dreg:$0x1] =	wrdreg $0xFFFFFFFF  }
0xaa: {  	s28 =	simm.s32 $_size_execute0_lowered;
	s6 =	sadd.s32 s6, s8;
	[dreg:$0x0] =	wrdreg $0x0  }
0xab: {  	s8 =	sshll.u32 s28, $0x1;
	[dreg:$0x2] =	wrdreg s6  }
0xac: {  	[dreg:$0x3] =	wrdreg s8  }
0xad: {  	[dreg:$0x4] =	wrdreg $0xC0  }
0xae: {  	_ =	task [dreg:s10], $0x5FFFF  }
0xaf: {  	[dreg:$0x1] =	wrdreg $0xFFFFFFFF  }
0xb0: {  	[dreg:$0x0] =	wrdreg $0x60  }
0xb1: {  	[dreg:$0x2] =	wrdreg s2  }
0xb2: {  	[dreg:$0x3] =	wrdreg s18  }
0xb3: {  	[dreg:$0x4] =	wrdreg s4  }
0xb4: {  	[dreg:$0x5] =	wrdreg s5  }
0xb5: {  	[dreg:$0x6] =	wrdreg s24  }
0xb6: {  	[dreg:$0x7] =	wrdreg $0x9  }
0xb7: {  	_ =	task.clear_ibuf [dreg:s10], $0x8FFFF;
	_ =	strace $0x90000046  }
0xb8: {  	s29 =	simm.s32 $0x9;
	_ =	strace $0x80000048  }
0xb9: {  	_ =	swait.ge [sflag:s29], $0x1  }
0xba: {  	[sflag:s29] =	ssyncadd.s32 $0xFFFFFFFF  }
0xbb: {  	_ =	strace $0x90000048  }
0xbc: {  	_ =	sfence  }
0xbd: {  	s30 =	sld [smem:$0x0];
	_ =	sdelay $0x2  }
0xbe: {  	s31 =	sshll.u32 s1, $0xD;
	s1 =	sshrl.u32 s1, $0x2  }
0xbf: {  	s3 =	sand.u32 $0x4000, s31;
	s1 =	sadd.s32 s1, s30  }
0xc0: {  	s0 =	sor.u32 s3, s0;
	s1 =	sshll.u32 s1, $0x11  }
0xc1: {  	s0 =	sor.u32 s1, s0  }
0xc2: {  	s0 =	sadd.s32 $0x8F2B, s0  }
0xc3: {  	[sflag:s0] =	ssyncadd.remote.s32 $0x1  }
0xc4: {  	_ =	sfence.sel $0xFFFF  }
0xc5: {  	[dreg:$0x0] =	wrdreg $0xFFFFFFFF;
	(pc) =	sbr.abs _section_cstart, $3  }
0xc6: {  	[dreg:$0x1] =	wrdreg $0xFFFFFFFF  }
0xc7: {  	_ =	task.clear_ibuf [dreg:s10], $0x2FFFF;
	_ =	strace $0x9FFFFFFF  }
0xc8: {  	(tm) =	ssettm $0x7FFFFFFF  }
0xc9: {  	_ =	shalt  }
tec
execute0_lowered:
.L_overlay_start_1:
0x0: {  	(tag) =	ssettag $0x1  }
0x1: {  	s0 =	rddreg [dreg:$0x0]  }
0x2: {  	s2 =	rddreg [dreg:$0x1]  }
0x3: {  	s4 =	rddreg [dreg:$0x2]  }
0x4: {  	s5 =	rddreg [dreg:$0x3]  }
0x5: {  	s1 =	rddreg [dreg:$0x4];
	s3 =	srdreg.scid  }
0x6: {  	s6 =	stileid.u32;
	s28 =	simm.s32 $0x2;
	s30 =	simm.s32 $0x3  }
0x7: {  	s31 =	simm.s32 $0x0;
	s3 =	sand.u32 $0x1, s3;
	s7 =	sshll.u32 s6, $0x1  }
0x8: {  	s6 =	simm.s32 $0x0;
	s8 =	ssub.s32 $0x2, s3;
	s3 =	sor.u32 s3, s7  }
0x9: {  	[smem:$0x7FF] =	sst s6;
	s21 =	sshrl.u32 s8, $0x1;
	s9 =	smul.u32 $0x3000, s3  }
0xa: {  	_ =	strace $0x80000047;
	s29 =	smul.u32 $0x18000, s3;
	s3 =	sshll.u32 s3, $0x4  }
0xb: {  	s7 =	ssub.s32 s8, s21;
	s17 =	sadd.s32 s1, s3;
	s22 =	sadd.s32 s0, s9  }
0xc: {  	s23 =	sadd.s32 s2, s9;
	s24 =	sadd.s32 s4, s9;
	[dreg:$0x6] =	wrdreg s22  }
0xd: {  	s25 =	sadd.s32 s5, s9;
	s26 =	sor.u32 $0x400, s9;
	[dreg:$0x7] =	wrdreg s23  }
.Ltmp0:
0xe: {  	s15 =	sor.u32 $0x4000, s29;
	[dreg:$0x8] =	wrdreg s24;
	(pc) =	sbr.rel .LBB2_1-.Ltmp0, $4  }
0xf: {  	s16 =	sor.u32 $0x6000, s29;
	s18 =	smax.u32 s7, $0x1;
	[dreg:$0x9] =	wrdreg s25  }
0x10: {  	s11 =	sadd.s32 s0, s26;
	s12 =	sadd.s32 s2, s26;
	s13 =	sadd.s32 s4, s26  }
0x11: {  	s14 =	sadd.s32 s5, s26;
	s22 =	simm.s32 $0x8000;
	s23 =	simm.s32 $0xA000  }
0x12: {  	v0 =	vimm.f32 $0.0e+00;
	s24 =	simm.s32 $0xC000;
	s25 =	simm.s32 $0xE000;
	s26 =	simm.s32 $0x1  }
.LBB2_8:
0x13: {  	s31 =	sadd.s32 $0x1, s31  }
0x14: {  	p0 =	sne.s32 s31, s18  }
.Ltmp1:
0x15: {  	[tilespmem:$0x10000] =	vst v1;
	s1 =	simm.s32 $0x10000;
	(pc) =	sbr.rel @!p0 .LBB2_9-.Ltmp1, $4  }
0x16: {  	[hbm4b:s17+s6] =	stream.linear.scatter [tilespmem:s1], [sflag:$0x3], $0x80, $0x38;
	[tilespmem:$0x10080] =	vst v63  }
0x17: {  	_ =	swait.ge [sflag:s30], $0x80  }
0x18: {  	[sflag:s30] =	ssyncset.done $0x0  }
0x19: {  	[sflag:s30] =	ssyncadd.s32 $0xFFFFFF80  }
.LBB2_1:
0x1a: {  	s1 =	rddreg [dreg:$0x6]  }
0x1b: {  	[tilespmem:s6], [sflag:$0x1] =	stream.linear.gather [hbm4b:s1+s6], $0x2000, $0x38;
	[tilespmem:$0x10080] =	vst v63  }
0x1c: {  	s10 =	rddreg [dreg:$0x7];
	s3 =	simm.s32 $0x2000  }
0x1d: {  	[tilespmem:s3], [sflag:$0x1] =	stream.linear.gather [hbm4b:s10+s6], $0x2000, $0x38;
	[tilespmem:$0x10080] =	vst v63  }
0x1e: {  	s19 =	rddreg [dreg:$0x8];
	s20 =	simm.s32 $0x4000  }
0x1f: {  	[tilespmem:s20], [sflag:$0x1] =	stream.linear.gather [hbm4b:s19+s6], $0x2000, $0x38;
	[tilespmem:$0x10080] =	vst v63  }
0x20: {  	s21 =	rddreg [dreg:$0x9];
	s29 =	simm.s32 $0x6000  }
0x21: {  	[tilespmem:s29], [sflag:$0x1] =	stream.linear.gather [hbm4b:s21+s6], $0x2000, $0x38;
	[tilespmem:$0x10080] =	vst v63  }
0x22: {  	_ = 	snop  }
0x23: {  	[tilespmem:s22], [sflag:$0x2] =	stream.linear.gather [hbm4b:s11+s6], $0x2000, $0x38;
	[tilespmem:$0x10080] =	vst v63  }
0x24: {  	_ = 	snop  }
0x25: {  	[tilespmem:s23], [sflag:$0x2] =	stream.linear.gather [hbm4b:s12+s6], $0x2000, $0x38;
	[tilespmem:$0x10080] =	vst v63  }
0x26: {  	_ = 	snop  }
0x27: {  	[tilespmem:s24], [sflag:$0x2] =	stream.linear.gather [hbm4b:s13+s6], $0x2000, $0x38;
	[tilespmem:$0x10080] =	vst v63  }
0x28: {  	s1 =	simm.s32 $0x0  }
0x29: {  	v1 =	vimm.f32 $0.0e+00;
	[tilespmem:s25], [sflag:$0x2] =	stream.linear.gather [hbm4b:s14+s6], $0x2000, $0x38;
	[tilespmem:$0x10080] =	vst v63  }
.LBB2_2:
0x2a: {  	_ =	swait.ge [sflag:s26], $0x2000  }
0x2b: {  	[sflag:s26] =	ssyncset.done $0x0  }
0x2c: {  	[sflag:s26] =	ssyncadd.s32 $0xFFFFE000  }
0x2d: {  	_ =	swait.ge [sflag:s26], $0x2000  }
0x2e: {  	[sflag:s26] =	ssyncset.done $0x0  }
0x2f: {  	[sflag:s26] =	ssyncadd.s32 $0xFFFFE000  }
0x30: {  	s3 =	simm.s32 $0x0;
	_ =	swait.ge [sflag:s26], $0x2000  }
0x31: {  	s7 =	simm.s32 $0x0;
	s9 =	simm.s32 $0x0;
	[sflag:s26] =	ssyncset.done $0x0  }
0x32: {  	s8 =	sand.u32 $0x40, s3;
	s3 =	sand.u32 $0x400, s3;
	[sflag:s26] =	ssyncadd.s32 $0xFFFFE000  }
0x33: {  	s7 =	sand.u32 $0x1800, s7;
	s3 =	sor.u32 s8, s3;
	_ =	swait.ge [sflag:s26], $0x2000  }
0x34: {  	s9 =	sand.u32 $0x380, s9;
	s3 =	sor.u32 s7, s3;
	[sflag:s26] =	ssyncset.done $0x0  }
0x35: {  	s3 =	sor.u32 s9, s3;
	[sflag:s26] =	ssyncadd.s32 $0xFFFFE000  }
0x36: {  	v2 =	vld [tilespmem:s3+$0x6030]  }
0x37: {  	v3 =	vld [tilespmem:s3+$0x2030]  }
0x38: {  	v4 =	vld [tilespmem:s3+$0x6000]  }
0x39: {  	v5 =	vld [tilespmem:s3+$0x6010]  }
0x3a: {  	v6 =	vld [tilespmem:s3+$0x6020]  }
0x3b: {  	v8 =	vld [tilespmem:s3+$0x2000]  }
0x3c: {  	v9 =	vld [tilespmem:s3+$0x2010];
	v7 =	vadd.f32 v2, v2  }
0x3d: {  	v11 =	vld [tilespmem:s3+$0x2020];
	v10 =	vmul.f32 $-2.000000000e+00, v3  }
0x3e: {  	v12 =	vld [tilespmem:s3+$0x4030];
	v7 =	vmul.f32 $1.442695020e+00, v7  }
0x3f: {  	v13 =	vld [tilespmem:s3+$0x30];
	v10 =	vmul.f32 $1.442695020e+00, v10  }
0x40: {  	v14 =	vld [tilespmem:s3+$0x4000];
	(erf) = vpow2.f32 v7;
	v7 =	vadd.f32 v4, v4  }
0x41: {  	s10 =	simm.s32 $0x200;
	s19 =	simm.s32 $0x40;
	v16 =	vld [tilespmem:s3+$0x0];
	v15 =	vadd.f32 v5, v5;
	(erf) = vpow2.f32 v10;
	v10 =	vadd.f32 v6, v6  }
0x42: {  	s20 =	simm.s32 $0x40;
	s8 =	sand.u32 $0x40, s19;
	s7 =	sand.u32 $0x400, s10;
	v18 =	vld [tilespmem:s3+$0x10];
	v17 =	vmul.f32 $-2.000000000e+00, v8;
	v5 =	vsub.f32 v9, v5;
	v7 =	vmul.f32 $1.442695020e+00, v7  }
0x43: {  	s10 =	simm.s32 $0x20;
	s9 =	sand.u32 $0x1800, s20;
	s7 =	sor.u32 s8, s7;
	v4 =	vsub.f32 v8, v4;
	v8 =	vmul.f32 $1.442695020e+00, v15;
	v15 =	vld [tilespmem:s3+$0x4010];
	v10 =	vmul.f32 $1.442695020e+00, v10  }
0x44: {  	s21 =	sand.u32 $0x380, s10;
	s7 =	sor.u32 s9, s7;
	v6 =	vsub.f32 v11, v6;
	(erf) = vpow2.f32 v7;
	v7 =	vmul.f32 $-2.000000000e+00, v9;
	v9 =	vld [tilespmem:s3+$0x4020]  }
0x45: {  	(erf) = vpow2.f32 v8;
	v8 =	vsub.f32 v12, v13;
	v12 =	vmul.f32 $-2.000000000e+00, v11;
	v11 =	vld [tilespmem:s3+$0x20];
	s3 =	sor.u32 s21, s7  }
0x46: {  	v2 =	vsub.f32 v3, v2;
	(erf) = vpow2.f32 v10;
	v10 =	vmul.f32 $1.442695020e+00, v17;
	v24 =	vld [tilespmem:s3+$0x2030]  }
0x47: {  	v25 =	vld [tilespmem:s3+$0x2020];
	v3 =	vmul.f32 v8, v8;
	v8 =	vadd.f32 v4, v0;
	v4 =	vmul.f32 $1.442695020e+00, v7  }
0x48: {  	v7 =	vsub.f32 v14, v16;
	v14 =	vld [tilespmem:s3+$0x6030]  }
0x49: {  	v5 =	vadd.f32 v5, v0;
	v12 =	vmul.f32 $1.442695020e+00, v12;
	(erf) = vpow2.f32 v10;
	v10 =	vld [tilespmem:s3+$0x6000];
	v13 =	vpop (erf)  }
0x4a: {  	(erf) = vpow2.f32 v4;
	v7 =	vmul.f32 v7, v7;
	v3 =	vadd.f32 v3, v13  }
0x4b: {  	v13 =	vsub.f32 v15, v18;
	v9 =	vsub.f32 v9, v11;
	v15 =	vld [tilespmem:s3+$0x6010];
	(erf) = vpow2.f32 v12;
	v4 =	vpop (erf)  }
0x4c: {  	v2 =	vadd.f32 v2, v0;
	v17 =	vld [tilespmem:s3+$0x6020];
	v22 =	vmul.f32 $-2.000000000e+00, v24;
	v4 =	vmul.f32 v3, v4  }
0x4d: {  	v3 =	vadd.f32 v6, v0;
	v6 =	vmul.f32 v13, v13;
	v13 =	vld [tilespmem:s3+$0x2000];
	v16 =	vadd.f32 v14, v14  }
0x4e: {  	v27 =	vmul.f32 $-2.000000000e+00, v25;
	v18 =	vmul.f32 v9, v9;
	v11 =	vpop (erf);
	v19 =	vadd.f32 v10, v10  }
0x4f: {  	v20 =	vld [tilespmem:s3+$0x2010];
	v14 =	vsub.f32 v24, v14;
	v9 =	vpop (erf);
	v12 =	vadd.f32 v7, v11;
	v21 =	vmul.f32 $1.442695020e+00, v16  }
0x50: {  	v7 =	vpop (erf);
	v9 =	vadd.f32 v6, v9;
	v6 =	vmul.f32 $1.442695020e+00, v19;
	v19 =	vadd.f32 v15, v15  }
0x51: {  	v23 =	vld [tilespmem:s3+$0x30];
	v11 =	vadd.f32 v18, v7;
	v7 =	vadd.f32 v17, v17;
	v18 =	vmul.f32 $1.442695020e+00, v22  }
0x52: {  	v4 =	vadd.f32 v4, v0;
	v16 =	vld [tilespmem:s3+$0x4000];
	(erf) = vpow2.f32 v21;
	v28 =	vmul.f32 $-2.000000000e+00, v13  }
0x53: {  	v21 =	vld [tilespmem:s3+$0x4030];
	v10 =	vsub.f32 v13, v10;
	v30 =	vmul.f32 $1.442695020e+00, v19;
	v26 =	vmul.f32 $1.442695020e+00, v7  }
0x54: {  	v22 =	vld [tilespmem:s3+$0x0];
	v19 =	vsub.f32 v20, v15;
	(erf) = vpow2.f32 v18;
	v7 =	vmul.f32 $-2.000000000e+00, v20  }
0x55: {  	s20 =	simm.s32 $0x80;
	v13 =	vsub.f32 v25, v17;
	v17 =	vpop (erf);
	v25 =	vld [tilespmem:s3+$0x10];
	v28 =	vmul.f32 $1.442695020e+00, v28;
	(erf) = vpow2.f32 v6  }
0x56: {  	s29 =	simm.s32 $0x40;
	s19 =	simm.s32 $0x400;
	s8 =	sand.u32 $0x40, s20;
	v20 =	vld [tilespmem:s3+$0x4010];
	v15 =	vpop (erf);
	v6 =	vadd.f32 v10, v8;
	v10 =	vimm.f32 $0.0e+00;
	v8 =	vimm.f32 $0.0e+00  }
0x57: {  	s9 =	sand.u32 $0x400, s19;
	s7 =	simm.s32 $0x80;
	s21 =	simm.s32 $0x3;
	v24 =	vld [tilespmem:s3+$0x4020];
	v29 =	vmul.f32 $1.442695020e+00, v7;
	(erf) = vpow2.f32 v30;
	v18 =	vpop (erf);
	v7 =	vimm.f32 $0.0e+00  }
.LBB2_3:
0x58: {  	p0 =	sne.s32 s21, $0x7F;
	s7 =	sand.u32 $0x1800, s7;
	s8 =	sor.u32 s8, s9;
	v30 =	vld [tilespmem:s3+$0x20];
	v27 =	vmul.f32 $1.442695020e+00, v27;
	v21 =	vsub.f32 v21, v23;
	(erf) = vpow2.f32 v26  }
0x59: {  	s3 =	sand.u32 $0x380, s29;
	v12 =	vmul.f32 v12, v17;
	s7 =	sor.u32 s7, s8;
	v16 =	vsub.f32 v16, v22;
	(erf) = vpow2.f32 v28  }
0x5a: {  	v5 =	vadd.f32 v19, v5;
	s3 =	sor.u32 s3, s7;
	v17 =	vmul.f32 v21, v21;
	(erf) = vpow2.f32 v29  }
0x5b: {  	v29 =	vld [tilespmem:s3+$0x6030];
	v16 =	vmul.f32 v16, v16;
	v21 =	vsub.f32 v20, v25;
	(erf) = vpow2.f32 v27;
	v20 =	vpop (erf)  }
0x5c: {  	v23 =	vmul.f32 v9, v15;
	v11 =	vmul.f32 v11, v18;
	v22 =	vld [tilespmem:s3+$0x6000];
	v17 =	vadd.f32 v17, v20  }
0x5d: {  	v10 =	vadd.f32 v12, v10;
	v31 =	vld [tilespmem:s3+$0x2030];
	v15 =	vmul.f32 v21, v21;
	v18 =	vsub.f32 v24, v30;
	v19 =	vpop (erf)  }
0x5e: {  	v7 =	vadd.f32 v23, v7;
	v8 =	vadd.f32 v11, v8;
	v20 =	vld [tilespmem:s3+$0x6010];
	v12 =	vmul.f32 v17, v19  }
0x5f: {  	v3 =	vadd.f32 v13, v3;
	v2 =	vadd.f32 v14, v2;
	v24 =	vld [tilespmem:s3+$0x6020];
	v11 =	vmul.f32 v18, v18;
	v9 =	vpop (erf)  }
0x60: {  	v13 =	vld [tilespmem:s3+$0x2000];
	v14 =	vadd.f32 v29, v29;
	v4 =	vadd.f32 v12, v4;
	v17 =	vpop (erf)  }
0x61: {  	v12 =	vadd.f32 v16, v9;
	v33 =	vadd.f32 v22, v22;
	v25 =	vld [tilespmem:s3+$0x2010];
	v19 =	vpop (erf)  }
0x62: {  	v9 =	vadd.f32 v15, v17;
	v28 =	vld [tilespmem:s3+$0x2020];
	v14 =	vmul.f32 $1.442695020e+00, v14;
	v23 =	vmul.f32 $-2.000000000e+00, v31;
	v17 =	vpop (erf)  }
0x63: {  	v11 =	vadd.f32 v11, v19;
	v16 =	vld [tilespmem:s3+$0x4000];
	v30 =	vmul.f32 $1.442695020e+00, v33;
	v26 =	vadd.f32 v20, v20;
	v15 =	vpop (erf)  }
0x64: {  	v27 =	vadd.f32 v24, v24;
	v21 =	vld [tilespmem:s3+$0x4030];
	v32 =	vmul.f32 $1.442695020e+00, v23;
	(erf) = vpow2.f32 v14;
	v18 =	vpop (erf)  }
.Ltmp2:
0x65: {  	v14 =	vmul.f32 $-2.000000000e+00, v13;
	v33 =	vsub.f32 v13, v22;
	v34 =	vmul.f32 $1.442695020e+00, v26;
	v23 =	vld [tilespmem:s3+$0x30];
	(pc) =	sbr.rel @p0 .LBB2_3-.Ltmp2, $4  }
0x66: {  	v22 =	vld [tilespmem:s3+$0x0];
	v19 =	vsub.f32 v25, v20;
	v26 =	vmul.f32 $1.442695020e+00, v27;
	(erf) = vpow2.f32 v32  }
0x67: {  	s19 =	sadd.s32 $0x200, s19;
	v32 =	vmul.f32 $-2.000000000e+00, v25;
	v20 =	vld [tilespmem:s3+$0x4010];
	v27 =	vmul.f32 $-2.000000000e+00, v28;
	v13 =	vsub.f32 v28, v24  }
0x68: {  	s29 =	sshll.u32 s21, $0x5;
	s20 =	sadd.s32 $0x40, s20;
	s7 =	sshll.u32 s21, $0x6;
	v28 =	vmul.f32 $1.442695020e+00, v14;
	v14 =	vsub.f32 v31, v29;
	v25 =	vld [tilespmem:s3+$0x10];
	(erf) = vpow2.f32 v30  }
0x69: {  	s8 =	sand.u32 $0x40, s20;
	s9 =	sand.u32 $0x400, s19;
	s21 =	sadd.s32 $0x1, s21;
	v6 =	vadd.f32 v33, v6;
	v29 =	vmul.f32 $1.442695020e+00, v32;
	v24 =	vld [tilespmem:s3+$0x4020];
	(erf) = vpow2.f32 v34  }
0x6a: {  	s7 =	sand.u32 $0x1800, s7;
	s8 =	sor.u32 s8, s9  }
0x6b: {  	s21 =	sand.u32 $0x380, s29;
	s7 =	sor.u32 s7, s8  }
0x6c: {  	s7 =	sor.u32 s21, s7  }
0x6d: {  	v30 =	vld [tilespmem:s7+$0x6030]  }
0x6e: {  	(erf) = vpow2.f32 v26;
	v31 =	vld [tilespmem:s7+$0x6000]  }
0x6f: {  	v27 =	vmul.f32 $1.442695020e+00, v27;
	(erf) = vpow2.f32 v28;
	v32 =	vld [tilespmem:s7+$0x2030]  }
0x70: {  	(erf) = vpow2.f32 v29;
	v33 =	vld [tilespmem:s7+$0x6010]  }
0x71: {  	(erf) = vpow2.f32 v27;
	v27 =	vld [tilespmem:s7+$0x2010];
	_ =	sdelay $0x1  }
0x72: {  	v26 =	vld [tilespmem:s7+$0x6020]  }
0x73: {  	v28 =	vld [tilespmem:s7+$0x2000]  }
0x74: {  	v29 =	vadd.f32 v30, v30;
	v34 =	vadd.f32 v31, v31  }
0x75: {  	v35 =	vmul.f32 $-2.000000000e+00, v32;
	v37 =	vadd.f32 v33, v33;
	v58 =	vmul.f32 $-2.000000000e+00, v27  }
0x76: {  	v36 =	vld [tilespmem:s7+$0x2020];
	v29 =	vmul.f32 $1.442695020e+00, v29;
	v34 =	vmul.f32 $1.442695020e+00, v34  }
0x77: {  	v38 =	vadd.f32 v26, v26;
	v35 =	vmul.f32 $1.442695020e+00, v35;
	v37 =	vmul.f32 $1.442695020e+00, v37  }
0x78: {  	(erf) = vpow2.f32 v29;
	v29 =	vmul.f32 $-2.000000000e+00, v28  }
0x79: {  	v39 =	vld [tilespmem:s3+$0x20];
	v40 =	vpop (erf);
	v38 =	vmul.f32 $1.442695020e+00, v38;
	(erf) = vpow2.f32 v35  }
0x7a: {  	v42 =	vld [tilespmem:s7+$0x4000];
	v41 =	vpop (erf);
	(erf) = vpow2.f32 v34;
	v29 =	vmul.f32 $1.442695020e+00, v29  }
0x7b: {  	v44 =	vld [tilespmem:s7+$0x4030];
	v59 =	vpop (erf);
	v43 =	vmul.f32 $-2.000000000e+00, v36;
	(erf) = vpow2.f32 v37  }
0x7c: {  	v45 =	vld [tilespmem:s7+$0x30];
	v60 =	vpop (erf);
	v35 =	vmul.f32 $1.442695020e+00, v58;
	(erf) = vpow2.f32 v38  }
0x7d: {  	v46 =	vld [tilespmem:s7+$0x0];
	v61 =	vpop (erf);
	v43 =	vmul.f32 $1.442695020e+00, v43;
	(erf) = vpow2.f32 v29  }
0x7e: {  	s3 =	sshll.u32 s1, $0xE;
	p0 =	seq.s32 s1, $0x5;
	v21 =	vsub.f32 v21, v23;
	v47 =	vld [tilespmem:s7+$0x4010];
	v29 =	vpop (erf);
	(erf) = vpow2.f32 v35  }
0x7f: {  	s8 =	sadd.s32 @!p0 s3, s15;
	v48 =	vld [tilespmem:s7+$0x10];
	v62 =	vpop (erf);
	(erf) = vpow2.f32 v43  }
0x80: {  	s8 =	sshrl.u32 @!p0 s8, $0x3;
	v21 =	vmul.f32 v21, v21;
	v49 =	vld [tilespmem:s7+$0x4020];
	v63 =	vpop (erf)  }
0x81: {  	v12 =	vmul.f32 v12, v17;
	v5 =	vadd.f32 v19, v5;
	s9 =	simm.s32 @!p0 $0x0;
	v23 =	vld [tilespmem:s7+$0x20];
	s7 =	sadd.s32 @!p0 s0, s8;
	v50 =	vpop (erf)  }
0x82: {  	v9 =	vmul.f32 v9, v15;
	v17 =	vsub.f32 v20, v25;
	[tilespmem:s9], [sflag:$0x1] =	stream.linear.gather @!p0 [hbm4b:s7+s9], $0x2000, $0x38;
	v20 =	vadd.f32 v21, v40;
	v51 =	vpop (erf);
	[tilespmem:$0x10080] =	vst v63  }
0x83: {  	v11 =	vmul.f32 v11, v18;
	v3 =	vadd.f32 v13, v3;
	v16 =	vsub.f32 v16, v22;
	s10 =	simm.s32 @!p0 $0x2000;
	s7 =	sadd.s32 @!p0 s2, s8;
	v22 =	vpop (erf)  }
0x84: {  	v2 =	vadd.f32 v14, v2;
	v10 =	vadd.f32 v12, v10;
	[tilespmem:s10], [sflag:$0x1] =	stream.linear.gather @!p0 [hbm4b:s7+s9], $0x2000, $0x38;
	v20 =	vmul.f32 v20, v41;
	v19 =	vpop (erf);
	[tilespmem:$0x10080] =	vst v63  }
0x85: {  	v7 =	vadd.f32 v9, v7;
	v8 =	vadd.f32 v11, v8;
	v11 =	vmul.f32 v16, v16;
	s7 =	sadd.s32 @!p0 s4, s8;
	s10 =	simm.s32 @!p0 $0x4000;
	v15 =	vpop (erf)  }
0x86: {  	v18 =	vsub.f32 v24, v39;
	[tilespmem:s10], [sflag:$0x1] =	stream.linear.gather @!p0 [hbm4b:s7+s9], $0x2000, $0x38;
	v4 =	vadd.f32 v20, v4;
	v12 =	vpop (erf);
	[tilespmem:$0x10080] =	vst v63  }
0x87: {  	v16 =	vmul.f32 v17, v17;
	s7 =	sadd.s32 @!p0 s5, s8;
	s8 =	simm.s32 @!p0 $0x6000;
	v11 =	vadd.f32 v11, v59;
	v17 =	vsub.f32 v28, v31;
	v9 =	vpop (erf)  }
0x88: {  	v14 =	vmul.f32 v18, v18;
	v18 =	vsub.f32 v27, v33;
	v20 =	vsub.f32 v36, v26;
	[tilespmem:s8], [sflag:$0x1] =	stream.linear.gather @!p0 [hbm4b:s7+s9], $0x2000, $0x38;
	v13 =	vpop (erf);
	[tilespmem:$0x10080] =	vst v63  }
0x89: {  	v21 =	vsub.f32 v32, v30;
	v24 =	vsub.f32 v44, v45;
	_ =	swait.ge [sflag:s28], $0x2000  }
0x8a: {  	v25 =	vsub.f32 v47, v48;
	v23 =	vsub.f32 v49, v23;
	[sflag:s28] =	ssyncset.done $0x0  }
0x8b: {  	v6 =	vadd.f32 v17, v6;
	v17 =	vsub.f32 v42, v46;
	[sflag:s28] =	ssyncadd.s32 $0xFFFFE000  }
0x8c: {  	v16 =	vadd.f32 v16, v60;
	v14 =	vadd.f32 v14, v61;
	v24 =	vmul.f32 v24, v24;
	_ =	swait.ge [sflag:s28], $0x2000  }
0x8d: {  	v5 =	vadd.f32 v18, v5;
	v17 =	vmul.f32 v17, v17;
	v11 =	vmul.f32 v11, v29;
	[sflag:s28] =	ssyncset.done $0x0  }
0x8e: {  	v23 =	vmul.f32 v23, v23;
	v18 =	vadd.f32 v24, v50;
	v24 =	vmul.f32 v25, v25;
	[sflag:s28] =	ssyncadd.s32 $0xFFFFE000  }
0x8f: {  	s19 =	simm.s32 $0x0;
	v16 =	vmul.f32 v16, v62;
	v10 =	vadd.f32 v11, v10;
	v11 =	vadd.f32 v17, v22;
	_ =	swait.ge [sflag:s28], $0x2000  }
0x90: {  	s8 =	simm.s32 $0x0;
	s9 =	simm.s32 $0x0;
	v14 =	vmul.f32 v14, v63;
	v17 =	vadd.f32 v24, v19;
	v15 =	vadd.f32 v23, v15;
	[sflag:s28] =	ssyncset.done $0x0  }
0x91: {  	s10 =	sand.u32 $0x40, s8;
	s7 =	sand.u32 $0x400, s8;
	v7 =	vadd.f32 v16, v7;
	v18 =	vmul.f32 v18, v51;
	v11 =	vmul.f32 v11, v12;
	[sflag:s28] =	ssyncadd.s32 $0xFFFFE000  }
0x92: {  	s8 =	sand.u32 $0x1800, s9;
	s7 =	sor.u32 s10, s7;
	v8 =	vadd.f32 v14, v8;
	v9 =	vmul.f32 v17, v9;
	v12 =	vmul.f32 v15, v13;
	_ =	swait.ge [sflag:s28], $0x2000  }
0x93: {  	s20 =	sand.u32 $0x380, s19;
	s7 =	sor.u32 s8, s7;
	v4 =	vadd.f32 v18, v4;
	v10 =	vadd.f32 v11, v10;
	[sflag:s28] =	ssyncset.done $0x0  }
0x94: {  	s19 =	sor.u32 s20, s7;
	v7 =	vadd.f32 v9, v7;
	v8 =	vadd.f32 v12, v8;
	[sflag:s28] =	ssyncadd.s32 $0xFFFFE000  }
0x95: {  	v3 =	vadd.f32 v20, v3;
	v2 =	vadd.f32 v21, v2;
	v9 =	vld [tilespmem:s19+$0xE030]  }
0x96: {  	v7 =	vadd.f32 v7, v10;
	v4 =	vadd.f32 v4, v8;
	v8 =	vld [tilespmem:s19+$0xA030]  }
0x97: {  	v5 =	vadd.f32 v5, v6;
	v6 =	vld [tilespmem:s19+$0xE000]  }
0x98: {  	v2 =	vadd.f32 v2, v3;
	v3 =	vadd.f32 v4, v7;
	v4 =	vld [tilespmem:s19+$0xE010]  }
0x99: {  	v7 =	vld [tilespmem:s19+$0xE020]  }
0x9a: {  	v2 =	vadd.f32 v2, v5;
	v3 =	vmul.f32 $5.000000000e-01, v3;
	v11 =	vld [tilespmem:s19+$0xA010]  }
0x9b: {  	v5 =	vld [tilespmem:s19+$0xA000]  }
0x9c: {  	v2 =	vadd.f32 v3, v2;
	v3 =	vld [tilespmem:s19+$0xA020];
	v10 =	vadd.f32 v9, v9  }
0x9d: {  	v14 =	vld [tilespmem:s19+$0xC030];
	v12 =	vmul.f32 $-2.000000000e+00, v8  }
0x9e: {  	v15 =	vld [tilespmem:s19+$0x8030];
	v13 =	vadd.f32 v6, v6;
	v10 =	vmul.f32 $1.442695020e+00, v10  }
0x9f: {  	v1 =	vadd.f32 v2, v1;
	v16 =	vld [tilespmem:s19+$0xC000];
	v19 =	vmul.f32 $-2.000000000e+00, v11;
	v12 =	vmul.f32 $1.442695020e+00, v12  }
0xa0: {  	s21 =	simm.s32 $0x200;
	s9 =	simm.s32 $0x40;
	v18 =	vld [tilespmem:s19+$0x8000];
	v17 =	vadd.f32 v7, v7;
	v13 =	vmul.f32 $1.442695020e+00, v13;
	(erf) = vpow2.f32 v10  }
0xa1: {  	s10 =	simm.s32 $0x40;
	s8 =	sand.u32 $0x40, s9;
	s7 =	sand.u32 $0x400, s21;
	v20 =	vld [tilespmem:s19+$0x8010];
	v10 =	vadd.f32 v4, v4;
	v4 =	vsub.f32 v11, v4;
	v11 =	vmul.f32 $-2.000000000e+00, v3  }
0xa2: {  	s9 =	sand.u32 $0x1800, s10;
	s20 =	simm.s32 $0x20;
	s7 =	sor.u32 s8, s7;
	v3 =	vsub.f32 v3, v7;
	v7 =	vld [tilespmem:s19+$0xC020];
	(erf) = vpow2.f32 v12;
	v12 =	vmul.f32 $-2.000000000e+00, v5  }
0xa3: {  	s21 =	sand.u32 $0x380, s20;
	s7 =	sor.u32 s9, s7;
	v5 =	vsub.f32 v5, v6;
	v6 =	vmul.f32 $1.442695020e+00, v17;
	v17 =	vld [tilespmem:s19+$0xC010];
	v10 =	vmul.f32 $1.442695020e+00, v10  }
0xa4: {  	v2 =	vimm.f32 $0.0e+00;
	v8 =	vsub.f32 v8, v9;
	(erf) = vpow2.f32 v13;
	v13 =	vld [tilespmem:s19+$0x8020];
	s19 =	sor.u32 s21, s7  }
0xa5: {  	v12 =	vmul.f32 $1.442695020e+00, v12;
	v26 =	vld [tilespmem:s19+$0xE020];
	(erf) = vpow2.f32 v10;
	v10 =	vsub.f32 v14, v15  }
0xa6: {  	v9 =	vmul.f32 $1.442695020e+00, v19;
	v25 =	vadd.f32 v5, v2;
	(erf) = vpow2.f32 v6  }
0xa7: {  	v5 =	vmul.f32 v10, v10;
	v10 =	vmul.f32 $1.442695020e+00, v11;
	v11 =	vsub.f32 v16, v18;
	v18 =	vld [tilespmem:s19+$0xE000]  }
0xa8: {  	v15 =	vld [tilespmem:s19+$0xE030];
	(erf) = vpow2.f32 v12  }
0xa9: {  	v6 =	vadd.f32 v4, v2;
	(erf) = vpow2.f32 v9;
	v9 =	vld [tilespmem:s19+$0xA030];
	v7 =	vsub.f32 v7, v13;
	v12 =	vpop (erf)  }
0xaa: {  	v11 =	vmul.f32 v11, v11;
	v22 =	vadd.f32 v26, v26;
	v4 =	vadd.f32 v5, v12  }
0xab: {  	(erf) = vpow2.f32 v10;
	v7 =	vmul.f32 v7, v7;
	v12 =	vsub.f32 v17, v20;
	v5 =	vpop (erf);
	v17 =	vld [tilespmem:s19+$0xE010]  }
0xac: {  	v19 =	vld [tilespmem:s19+$0xA010];
	v16 =	vadd.f32 v18, v18;
	v4 =	vmul.f32 v4, v5;
	v5 =	vadd.f32 v3, v2  }
0xad: {  	v13 =	vpop (erf);
	v10 =	vmul.f32 v12, v12;
	v3 =	vadd.f32 v8, v2;
	v8 =	vld [tilespmem:s19+$0xA000];
	v12 =	vadd.f32 v15, v15  }
0xae: {  	v24 =	vmul.f32 $1.442695020e+00, v22;
	v14 =	vadd.f32 v11, v13;
	v13 =	vmul.f32 $-2.000000000e+00, v9  }
0xaf: {  	v11 =	vld [tilespmem:s19+$0xA020];
	v20 =	vpop (erf);
	v29 =	vmul.f32 $1.442695020e+00, v16;
	v4 =	vadd.f32 v4, v2;
	v12 =	vmul.f32 $1.442695020e+00, v12  }
0xb0: {  	v23 =	vld [tilespmem:s19+$0x8030];
	v10 =	vadd.f32 v10, v20;
	v20 =	vpop (erf);
	v27 =	vmul.f32 $1.442695020e+00, v13;
	v21 =	vadd.f32 v17, v17  }
0xb1: {  	v22 =	vld [tilespmem:s19+$0x8000];
	v13 =	vadd.f32 v7, v20;
	v17 =	vsub.f32 v19, v17;
	(erf) = vpow2.f32 v12  }
0xb2: {  	v20 =	vld [tilespmem:s19+$0xC030];
	v7 =	vmul.f32 $-2.000000000e+00, v8;
	v8 =	vsub.f32 v8, v18;
	v18 =	vmul.f32 $-2.000000000e+00, v19  }
0xb3: {  	v16 =	vld [tilespmem:s19+$0xC000];
	v12 =	vsub.f32 v9, v15;
	v9 =	vimm.f32 $0.0e+00;
	(erf) = vpow2.f32 v27  }
0xb4: {  	s29 =	simm.s32 $0x3;
	v30 =	vmul.f32 $1.442695020e+00, v21;
	v28 =	vmul.f32 $-2.000000000e+00, v11;
	v19 =	vpop (erf);
	v21 =	vld [tilespmem:s19+$0xC010];
	v11 =	vsub.f32 v11, v26  }
0xb5: {  	s20 =	simm.s32 $0x400;
	s8 =	simm.s32 $0x80;
	s21 =	simm.s32 $0x80;
	v26 =	vld [tilespmem:s19+$0x8010];
	v15 =	vpop (erf);
	(erf) = vpow2.f32 v29;
	v27 =	vmul.f32 $1.442695020e+00, v7;
	v7 =	vadd.f32 v8, v25  }
0xb6: {  	s10 =	sand.u32 $0x400, s20;
	s7 =	simm.s32 $0x40;
	s9 =	sand.u32 $0x40, s21;
	v29 =	vmul.f32 $1.442695020e+00, v18;
	v25 =	vld [tilespmem:s19+$0xC020];
	v8 =	vimm.f32 $0.0e+00;
	v18 =	vpop (erf);
	(erf) = vpow2.f32 v30  }
.LBB2_5:
0xb7: {  	p1 =	sne.s32 s29, $0x7F;
	s8 =	sand.u32 $0x1800, s8;
	s9 =	sor.u32 s9, s10;
	v30 =	vld [tilespmem:s19+$0x8020];
	v28 =	vmul.f32 $1.442695020e+00, v28;
	v23 =	vsub.f32 v20, v23;
	(erf) = vpow2.f32 v24  }
0xb8: {  	s7 =	sand.u32 $0x380, s7;
	v14 =	vmul.f32 v14, v19;
	s8 =	sor.u32 s8, s9;
	v16 =	vsub.f32 v16, v22;
	(erf) = vpow2.f32 v27  }
0xb9: {  	v6 =	vadd.f32 v17, v6;
	s19 =	sor.u32 s7, s8;
	v17 =	vmul.f32 v23, v23;
	(erf) = vpow2.f32 v29  }
0xba: {  	v29 =	vld [tilespmem:s19+$0xE030];
	v16 =	vmul.f32 v16, v16;
	v22 =	vsub.f32 v21, v26;
	(erf) = vpow2.f32 v28;
	v20 =	vpop (erf)  }
0xbb: {  	v13 =	vmul.f32 v13, v18;
	v21 =	vld [tilespmem:s19+$0xE000];
	v17 =	vadd.f32 v17, v20;
	v20 =	vmul.f32 v10, v15  }
0xbc: {  	v2 =	vadd.f32 v14, v2;
	v31 =	vld [tilespmem:s19+$0xA030];
	v15 =	vmul.f32 v22, v22;
	v18 =	vsub.f32 v25, v30;
	v19 =	vpop (erf)  }
0xbd: {  	v8 =	vadd.f32 v13, v8;
	v24 =	vld [tilespmem:s19+$0xE010];
	v14 =	vmul.f32 v17, v19;
	v9 =	vadd.f32 v20, v9  }
0xbe: {  	v5 =	vadd.f32 v11, v5;
	v3 =	vadd.f32 v12, v3;
	v25 =	vld [tilespmem:s19+$0xE020];
	v11 =	vmul.f32 v18, v18;
	v10 =	vpop (erf)  }
0xbf: {  	v12 =	vld [tilespmem:s19+$0xA000];
	v13 =	vadd.f32 v29, v29;
	v4 =	vadd.f32 v14, v4;
	v17 =	vpop (erf)  }
0xc0: {  	v14 =	vadd.f32 v16, v10;
	v32 =	vadd.f32 v21, v21;
	v26 =	vld [tilespmem:s19+$0xA010];
	v20 =	vpop (erf)  }
0xc1: {  	v10 =	vadd.f32 v15, v17;
	v27 =	vld [tilespmem:s19+$0xA020];
	v22 =	vmul.f32 $1.442695020e+00, v13;
	v23 =	vmul.f32 $-2.000000000e+00, v31;
	v19 =	vpop (erf)  }
0xc2: {  	v13 =	vadd.f32 v11, v20;
	v16 =	vld [tilespmem:s19+$0xC000];
	v30 =	vmul.f32 $1.442695020e+00, v32;
	v17 =	vadd.f32 v24, v24;
	v15 =	vpop (erf)  }
0xc3: {  	v11 =	vadd.f32 v25, v25;
	v20 =	vld [tilespmem:s19+$0xC030];
	v28 =	vmul.f32 $1.442695020e+00, v23;
	(erf) = vpow2.f32 v22;
	v18 =	vpop (erf)  }
.Ltmp3:
0xc4: {  	v32 =	vmul.f32 $-2.000000000e+00, v12;
	v33 =	vsub.f32 v12, v21;
	v34 =	vmul.f32 $1.442695020e+00, v17;
	v23 =	vld [tilespmem:s19+$0x8030];
	(pc) =	sbr.rel @p1 .LBB2_5-.Ltmp3, $4  }
0xc5: {  	v22 =	vld [tilespmem:s19+$0x8000];
	v17 =	vsub.f32 v26, v24;
	v24 =	vmul.f32 $1.442695020e+00, v11;
	(erf) = vpow2.f32 v28  }
0xc6: {  	s20 =	sadd.s32 $0x200, s20;
	v35 =	vmul.f32 $-2.000000000e+00, v26;
	v21 =	vld [tilespmem:s19+$0xC010];
	v28 =	vmul.f32 $-2.000000000e+00, v27;
	v11 =	vsub.f32 v27, v25  }
0xc7: {  	s21 =	sadd.s32 $0x40, s21;
	s8 =	sshll.u32 s29, $0x6;
	s7 =	sshll.u32 s29, $0x5;
	v12 =	vsub.f32 v31, v29;
	v27 =	vmul.f32 $1.442695020e+00, v32;
	v26 =	vld [tilespmem:s19+$0x8010];
	(erf) = vpow2.f32 v30  }
0xc8: {  	s9 =	sand.u32 $0x40, s21;
	s10 =	sand.u32 $0x400, s20;
	s29 =	sadd.s32 $0x1, s29;
	v7 =	vadd.f32 v33, v7;
	v29 =	vmul.f32 $1.442695020e+00, v35;
	v25 =	vld [tilespmem:s19+$0xC020];
	(erf) = vpow2.f32 v34  }
0xc9: {  	s8 =	sand.u32 $0x1800, s8;
	s9 =	sor.u32 s9, s10  }
0xca: {  	s7 =	sand.u32 $0x380, s7;
	s8 =	sor.u32 s8, s9  }
0xcb: {  	v30 =	vld [tilespmem:s19+$0x8020];
	s29 =	sor.u32 s7, s8  }
0xcc: {  	v31 =	vld [tilespmem:s29+$0xE030]  }
0xcd: {  	v20 =	vsub.f32 v20, v23;
	v23 =	vld [tilespmem:s29+$0xE000]  }
0xce: {  	v14 =	vmul.f32 v14, v19;
	v19 =	vld [tilespmem:s29+$0xA030]  }
0xcf: {  	v28 =	vmul.f32 $1.442695020e+00, v28;
	(erf) = vpow2.f32 v24;
	v16 =	vsub.f32 v16, v22;
	v22 =	vld [tilespmem:s29+$0xE010]  }
0xd0: {  	v10 =	vmul.f32 v10, v15;
	v20 =	vmul.f32 v20, v20;
	v52 =	vld [tilespmem:s29+$0xA000]  }
0xd1: {  	v13 =	vmul.f32 v13, v18;
	v6 =	vadd.f32 v17, v6;
	(erf) = vpow2.f32 v27;
	v51 =	vpop (erf);
	v60 =	vld [tilespmem:s29+$0xA010]  }
0xd2: {  	(erf) = vpow2.f32 v29;
	v21 =	vsub.f32 v21, v26;
	v61 =	vld [tilespmem:s29+$0xA020];
	v20 =	vadd.f32 v20, v51  }
0xd3: {  	v5 =	vadd.f32 v11, v5;
	v16 =	vmul.f32 v16, v16;
	(erf) = vpow2.f32 v28;
	v26 =	vld [tilespmem:s29+$0xE020];
	v55 =	vpop (erf)  }
0xd4: {  	v53 =	vmul.f32 v21, v21;
	v20 =	vmul.f32 v20, v55;
	v56 =	vadd.f32 v31, v31  }
0xd5: {  	v54 =	vsub.f32 v25, v30;
	v58 =	vmul.f32 $-2.000000000e+00, v19;
	v36 =	vmul.f32 $-2.000000000e+00, v52  }
0xd6: {  	v57 =	vadd.f32 v23, v23;
	v41 =	vmul.f32 $-2.000000000e+00, v60;
	v25 =	vmul.f32 $1.442695020e+00, v56  }
0xd7: {  	v63 =	vld [tilespmem:s29+$0xC000];
	v62 =	vadd.f32 v22, v22;
	v44 =	vmul.f32 $-2.000000000e+00, v61;
	v27 =	vmul.f32 $1.442695020e+00, v58  }
0xd8: {  	v37 =	vld [tilespmem:s29+$0xC030];
	v32 =	vadd.f32 v26, v26;
	v24 =	vmul.f32 $1.442695020e+00, v57;
	(erf) = vpow2.f32 v25  }
0xd9: {  	v3 =	vadd.f32 v12, v3;
	v38 =	vld [tilespmem:s29+$0x8030];
	v29 =	vmul.f32 $1.442695020e+00, v62;
	(erf) = vpow2.f32 v27  }
0xda: {  	v2 =	vadd.f32 v14, v2;
	v40 =	vld [tilespmem:s29+$0x8000];
	v39 =	vmul.f32 $1.442695020e+00, v32;
	(erf) = vpow2.f32 v24  }
0xdb: {  	v9 =	vadd.f32 v10, v9;
	v43 =	vld [tilespmem:s29+$0xC010];
	v42 =	vpop (erf);
	v25 =	vmul.f32 $1.442695020e+00, v36;
	(erf) = vpow2.f32 v29  }
0xdc: {  	v8 =	vadd.f32 v13, v8;
	v46 =	vld [tilespmem:s29+$0x8010];
	v45 =	vpop (erf);
	v24 =	vmul.f32 $1.442695020e+00, v41;
	(erf) = vpow2.f32 v39  }
0xdd: {  	v48 =	vld [tilespmem:s29+$0xC020];
	v4 =	vadd.f32 v20, v4;
	v47 =	vpop (erf);
	v32 =	vmul.f32 $1.442695020e+00, v44;
	(erf) = vpow2.f32 v25  }
0xde: {  	v50 =	vld [tilespmem:s29+$0x8020];
	v16 =	vadd.f32 v16, v42;
	v15 =	vsub.f32 v52, v23;
	v49 =	vpop (erf);
	(erf) = vpow2.f32 v24  }
0xdf: {  	v21 =	vsub.f32 v60, v22;
	v19 =	vsub.f32 v19, v31;
	v51 =	vpop (erf);
	(erf) = vpow2.f32 v32  }
0xe0: {  	v59 =	vmul.f32 v54, v54;
	v10 =	vsub.f32 v37, v38;
	v13 =	vsub.f32 v63, v40;
	v52 =	vpop (erf)  }
0xe1: {  	v11 =	vsub.f32 v43, v46;
	v12 =	vadd.f32 v53, v45;
	v54 =	vpop (erf)  }
0xe2: {  	v53 =	vsub.f32 v61, v26;
	v17 =	vadd.f32 v59, v47;
	v55 =	vpop (erf)  }
0xe3: {  	v7 =	vadd.f32 v15, v7;
	v56 =	vsub.f32 v48, v50;
	v16 =	vmul.f32 v16, v49;
	v57 =	vpop (erf)  }
0xe4: {  	v10 =	vmul.f32 v10, v10;
	v6 =	vadd.f32 v21, v6;
	v13 =	vmul.f32 v13, v13;
	v58 =	vpop (erf)  }
0xe5: {  	v11 =	vmul.f32 v11, v11;
	v59 =	vmul.f32 v56, v56;
	v2 =	vadd.f32 v16, v2;
	v60 =	vpop (erf)  }
0xe6: {  	v12 =	vmul.f32 v12, v51;
	v10 =	vadd.f32 v10, v54;
	v13 =	vadd.f32 v13, v57;
	v61 =	vpop (erf)  }
0xe7: {  	v17 =	vmul.f32 v17, v52;
	v11 =	vadd.f32 v11, v58;
	v14 =	vadd.f32 v59, v60;
	v62 =	vpop (erf)  }
0xe8: {  	v9 =	vadd.f32 v12, v9;
	v10 =	vmul.f32 v10, v55;
	v13 =	vmul.f32 v13, v61;
	v63 =	vpop (erf)  }
0xe9: {  	v8 =	vadd.f32 v17, v8;
	v11 =	vmul.f32 v11, v62;
	v12 =	vmul.f32 v14, v63  }
0xea: {  	v4 =	vadd.f32 v10, v4;
	v2 =	vadd.f32 v13, v2  }
0xeb: {  	v9 =	vadd.f32 v11, v9;
	v8 =	vadd.f32 v12, v8  }
0xec: {  	v3 =	vadd.f32 v19, v3;
	v5 =	vadd.f32 v53, v5  }
0xed: {  	v2 =	vadd.f32 v9, v2;
	v4 =	vadd.f32 v4, v8  }
0xee: {  	v6 =	vadd.f32 v6, v7  }
0xef: {  	v3 =	vadd.f32 v3, v5;
	v2 =	vadd.f32 v4, v2;
	_ =	sdelay $0x1  }
.Ltmp4:
0xf0: {  	v3 =	vadd.f32 v3, v6;
	v2 =	vmul.f32 $5.000000000e-01, v2;
	(pc) =	sbr.rel @p0 .LBB2_8-.Ltmp4, $3  }
0xf1: {  	_ = 	snop  }
0xf2: {  	v2 =	vadd.f32 v2, v3;
	_ =	sdelay $0x1  }
0xf3: {  	v1 =	vadd.f32 v2, v1  }
0xf4: {  	s3 =	sadd.s32 s3, s16  }
0xf5: {  	s3 =	sshrl.u32 s3, $0x3  }
0xf6: {  	s7 =	sadd.s32 s0, s3  }
0xf7: {  	[tilespmem:s22], [sflag:$0x2] =	stream.linear.gather [hbm4b:s7+s6], $0x2000, $0x38;
	[tilespmem:$0x10080] =	vst v63  }
0xf8: {  	s21 =	sadd.s32 s2, s3  }
0xf9: {  	[tilespmem:s23], [sflag:$0x2] =	stream.linear.gather [hbm4b:s21+s6], $0x2000, $0x38;
	[tilespmem:$0x10080] =	vst v63  }
.Ltmp5:
0xfa: {  	_ = 	snop;
	(pc) =	sbr.rel .LBB2_2-.Ltmp5, $4  }
0xfb: {  	s29 =	sadd.s32 s4, s3  }
0xfc: {  	[tilespmem:s24], [sflag:$0x2] =	stream.linear.gather [hbm4b:s29+s6], $0x2000, $0x38;
	[tilespmem:$0x10080] =	vst v63  }
0xfd: {  	s1 =	sadd.s32 $0x1, s1;
	s3 =	sadd.s32 s5, s3  }
0xfe: {  	[tilespmem:s25], [sflag:$0x2] =	stream.linear.gather [hbm4b:s3+s6], $0x2000, $0x38;
	[tilespmem:$0x10080] =	vst v63  }
.LBB2_9:
0xff: {  	_ =	sfence.sel $0x180000  }
0x100: {  	[bflag:$0x0] =	sbarrier.arrive $0xFFFF  }
0x101: {  	_ =	strace $0x90000047  }
0x102: {  	s0 =	stileid.u32;
	[bflag:$0x2] =	sbarrier.arrive $0xFFFF  }
0x103: {  	p0 =	sne.s32 s0, $0x0;
	s0 =	rddreg [dreg:$0x5]  }
0x104: {  	s0 =	sadd.s32 @!p0 $0x100000, s0  }
0x105: {  	[sflag:s0] =	ssyncadd.tile.s32 @!p0 $0x1;
	_ =	shalt  }
.Lfunc_end2:
_tile_overlayer_lowered:
.L_overlay_start_2:
0x106: {  	(tag) =	ssettag $0x2  }
0x107: {  	s0 =	rddreg [dreg:$0x0];
	s2 =	stileid.u32  }
0x108: {  	s1 =	rddreg [dreg:$0x1];
	p0 =	sne.s32 s2, $0x0  }
0x109: {  	s3 =	rddreg [dreg:$0x2];
	[bflag:$0x3] =	sbarrier.arrive $0xFFFF;
	s2 =	simm.s32 @!p0 $0x1C03  }
0x10a: {  	[timem:s3], [sflag:s2] =	dma.local @!p0 [hbm:s0], s1  }
0x10b: {  	s0 =	simm.s32 @!p0 $0x3  }
0x10c: {  	_ =	swait.ge @!p0 [sflag:s0], s1  }
0x10d: {  	s1 =	ssub.s32 @!p0 $0x0, s1;
	[sflag:s0] =	ssyncset.done @!p0 $0x0  }
0x10e: {  	[sflag:s0] =	ssyncadd.s32 @!p0 s1  }
0x10f: {  	[bflag:$0x3] =	sbarrier.arrive $0xFFFF  }
0x110: {  	_ =	shalt  }

</sc_bundles>
